<compile_context>
chip_gen: v7x
topology: tpu7x:2x2x1
jax: 0.10.2.dev20260603
libtpu: 0.0.44.dev20260713+nightly
codegen_flags: <defaults>
</compile_context>

<pallas_src>
import functools

import jax
import jax.numpy as jnp
from jax import lax
from jax.experimental import pallas as pl
from jax.experimental.pallas import tpu as pltpu
from jax.experimental.pallas import tpu_sc as plsc

_BATCH = 16384
_NC, _NS, _L = 2, 16, 16
_NW = _NC * _NS
_BPW = _BATCH // _NW
_VITERS = _BPW // _L

_C1 = 0xBF58476D1CE4E5B9
_C2 = 0x94D049BB133111EB
_KM = 0xC6A4A7935BD1E995

def _u(c):
    return jnp.uint32(c)


def _mul32_wide(a, bc, no_mid_carry=False):
    b1, b0 = _u(bc >> 16), _u(bc & 0xFFFF)
    a1 = a >> _u(16)
    a0 = a & _u(0xFFFF)
    ll = a0 * b0
    lh = a0 * b1
    hl = a1 * b0
    hh = a1 * b1
    mid = lh + hl
    lo = ll + (mid << _u(16))
    clo = jnp.where(lo < ll, _u(1), _u(0))
    hi = hh + (mid >> _u(16)) + clo
    if not no_mid_carry:
        cmid = jnp.where(mid < lh, _u(1), _u(0))
        hi = hi + (cmid << _u(16))
    return hi, lo


def _mul64_const(hi, lo, bc, no_mid_carry=False):
    phi, plo = _mul32_wide(lo, bc & 0xFFFFFFFF, no_mid_carry)
    phi = phi + lo * _u(bc >> 32)
    if hi is not None:
        phi = phi + hi * _u(bc & 0xFFFFFFFF)
    return phi, plo


def _shr_xor(hi, lo, s):
    tlo = (lo >> _u(s)) | (hi << _u(32 - s))
    return hi ^ (hi >> _u(s)), lo ^ tlo


def _splitmix(lo):
    hi, lo = _mul64_const(None, lo, _C1, no_mid_carry=True)
    hi, lo = _shr_xor(hi, lo, 27)
    hi, lo = _mul64_const(hi, lo, _C2, no_mid_carry=True)
    hi, lo = _shr_xor(hi, lo, 31)
    return hi, lo


def _cat64(ah, al, bh, bl):
    h, l = _mul64_const(bh, bl, _KM)
    l = l ^ (h >> _u(15))
    h, l = h ^ ah, l ^ al
    h, l = _mul64_const(h, l, _KM)
    l = l ^ (h >> _u(15))
    return _mul64_const(h, l, _KM)


def _mod15625(x):
    q = (x.astype(jnp.float32) * jnp.float32(1.0 / 15625.0)).astype(jnp.int32)
    r = x - q * 15625
    r = jnp.where(r < 0, r + 15625, r)
    return jnp.where(r >= 15625, r - 15625, r)


def _mod1e6(hi, lo):
    l0 = (lo & _u(0xFFFF)).astype(jnp.int32)
    l1 = (lo >> _u(16)).astype(jnp.int32)
    l2 = (hi & _u(0xFFFF)).astype(jnp.int32)
    l3 = (hi >> _u(16)).astype(jnp.int32)
    r = _mod15625(l0 + l1 * 3036 + l2 * 14171 + l3 * 7531)
    a = (lo & _u(63)).astype(jnp.int32)
    k = (((a - r) & 63) * 57) & 63
    return r + 15625 * k


def _hash_vec(a, b):
    h1h, h1l = _splitmix(a)
    h2h, h2l = _splitmix(b)
    ch, cl = _cat64(h1h, h1l, h2h, h2l)
    return _mod1e6(ch, cl)


def _sc_body(ff_hbm, out_hbm, f1_v, f2_v, out_v, sem1, sem2):
    wid = lax.axis_index("s") * jnp.int32(_NC) + lax.axis_index("c")
    base = wid * jnp.int32(_BPW)
    cp1 = pltpu.async_copy(ff_hbm.at[pl.ds(base, _BPW)], f1_v, sem1)
    cp2 = pltpu.async_copy(
        ff_hbm.at[pl.ds(base + jnp.int32(_BATCH), _BPW)], f2_v, sem2)
    cp1.wait()
    cp2.wait()

    def _step(i, carry):
        off = i * jnp.int32(_L)
        a = f1_v[pl.ds(off, _L)].astype(jnp.uint32)
        b = f2_v[pl.ds(off, _L)].astype(jnp.uint32)
        out_v[pl.ds(off, _L)] = _hash_vec(a, b)
        return carry

    lax.fori_loop(jnp.int32(0), jnp.int32(_VITERS), _step, 0)
    pltpu.sync_copy(out_v, out_hbm.at[pl.ds(base, _BPW)])


@functools.cache
def _make_sc_call():
    return pl.kernel(
        _sc_body,
        out_type=jax.ShapeDtypeStruct((_BATCH,), jnp.int32),
        mesh=plsc.VectorSubcoreMesh(
            core_axis_name="c", subcore_axis_name="s",
            num_cores=_NC, num_subcores=_NS,
        ),
        scratch_types=[
            pltpu.VMEM((_BPW,), jnp.int32),
            pltpu.VMEM((_BPW,), jnp.int32),
            pltpu.VMEM((_BPW,), jnp.int32),
            pltpu.SemaphoreType.DMA,
            pltpu.SemaphoreType.DMA,
        ],
    )


@jax.jit
def kernel(feat1, feat2):
    ff = jnp.concatenate(
        [feat1.astype(jnp.int32), feat2.astype(jnp.int32)])
    bins = _make_sc_call()(ff)
    return bins.astype(jnp.int64)

# --- scband reference (transcript-rebuilt; emitter-appended) ---
"""Pipeline reference for scband-hashed-crossing-3212635538080 (READ-ONLY COPY).

The authoritative reference and input builder live on the scoring server;
editing this copy changes nothing except your own understanding.
"""

import jax, jax.numpy as jnp
import numpy as np

jax.config.update('jax_enable_x64', True)

NUM_BINS = 1000000
BATCH = 16384
VOCAB = 100000


def _splitmix64(x):
    # 64-bit avalanche mixer (splitmix64 finalizer), a faithful stand-in for
    # TF's Fingerprint64 in tf.sparse.cross_hashed.
    x = x.astype(jnp.uint64)
    x = x ^ (x >> jnp.uint64(30))
    x = x * jnp.uint64(0xBF58476D1CE4E5B9)
    x = x ^ (x >> jnp.uint64(27))
    x = x * jnp.uint64(0x94D049BB133111EB)
    x = x ^ (x >> jnp.uint64(31))
    return x


def _fingerprint_cat64(a, b):
    # Mirrors TF's FingerprintCat64: combine two 64-bit fingerprints.
    kMul = jnp.uint64(0xC6A4A7935BD1E995)
    a = a.astype(jnp.uint64)
    b = b.astype(jnp.uint64)
    h = b * kMul
    h = h ^ (h >> jnp.uint64(47))
    h = h ^ a
    h = h * kMul
    h = h ^ (h >> jnp.uint64(47))
    h = h * kMul
    return h


def setup_inputs(seed: int = 0) -> dict:
    key = jax.random.key(seed)
    k1, k2 = jax.random.split(key)
    feat1 = jax.random.randint(k1, (BATCH,), 0, VOCAB, dtype=jnp.int64)
    feat2 = jax.random.randint(k2, (BATCH,), 0, VOCAB, dtype=jnp.int64)
    return {'feat1': feat1, 'feat2': feat2}


def reference(feat1, feat2):
    # HashedCrossing with output_mode='int':
    # conceptually hash(concatenate(features)) % num_bins
    h1 = _splitmix64(feat1)
    h2 = _splitmix64(feat2)
    combined = _fingerprint_cat64(h1, h2)
    bins = (combined % jnp.uint64(NUM_BINS)).astype(jnp.int64)
    return bins

if __name__ == "__main__":
    import jax
    _d = setup_inputs()
    print(jax.jit(kernel)(*tuple(_d.values())))

</pallas_src>

<mosaic_0001>
#map = affine_map<(d0, d1) -> (0)>
module attributes {stable_mosaic.version = 14 : i64} {
  func.func @_sc_body(%arg0: i32, %arg1: i32, %arg2: memref<32768xi32, #tpu.memory_space<hbm>>, %arg3: memref<16384xi32, #tpu.memory_space<hbm>>, %arg4: memref<512xi32, #tpu.memory_space<vmem>>, %arg5: memref<512xi32, #tpu.memory_space<vmem>>, %arg6: memref<512xi32, #tpu.memory_space<vmem>>, %arg7: memref<!tpu.dma_semaphore, #tpu.memory_space<semaphore_mem>>, %arg8: memref<!tpu.dma_semaphore, #tpu.memory_space<semaphore_mem>>) attributes {dimension_semantics = [#tpu.dimension_semantics<core_parallel>, #tpu.dimension_semantics<subcore_parallel>], iteration_bounds = array<i64: 2, 16>, scalar_prefetch = 0 : i64, scratch_operands = 5 : i64, tpu.core_type = #tpu.core_type<sc_vector_subcore>, window_params = [{transform_indices = #map}, {transform_indices = #map}]} {
    %mul3A = arith.constant 2 : i32
    %mul3A_0 = arith.muli %arg1, %mul3A : i32
    %add3A = arith.addi %mul3A_0, %arg0 : i32
    %mul3A_1 = arith.constant 512 : i32
    %mul3A_2 = arith.muli %add3A, %mul3A_1 : i32
    %dma_start3A = tpu.memref_slice %arg2[%mul3A_2] : memref<32768xi32, #tpu.memory_space<hbm>> -> memref<512xi32, #tpu.memory_space<hbm>>
    %dma_start3A_3 = tpu.memref_slice %arg2[%mul3A_2] : memref<32768xi32, #tpu.memory_space<hbm>> -> memref<512xi32, #tpu.memory_space<hbm>>
    tpu.enqueue_dma source(%dma_start3A_3 : memref<512xi32, #tpu.memory_space<hbm>>) target(%arg4 : memref<512xi32, #tpu.memory_space<vmem>>) target_semaphore(%arg7 : memref<!tpu.dma_semaphore, #tpu.memory_space<semaphore_mem>>)
    %add3A_4 = arith.constant 16384 : i32
    %add3A_5 = arith.addi %mul3A_2, %add3A_4 : i32
    %dma_start3A_6 = tpu.memref_slice %arg2[%add3A_5] : memref<32768xi32, #tpu.memory_space<hbm>> -> memref<512xi32, #tpu.memory_space<hbm>>
    %dma_start3A_7 = tpu.memref_slice %arg2[%add3A_5] : memref<32768xi32, #tpu.memory_space<hbm>> -> memref<512xi32, #tpu.memory_space<hbm>>
    tpu.enqueue_dma source(%dma_start3A_7 : memref<512xi32, #tpu.memory_space<hbm>>) target(%arg5 : memref<512xi32, #tpu.memory_space<vmem>>) target_semaphore(%arg8 : memref<!tpu.dma_semaphore, #tpu.memory_space<semaphore_mem>>)
    %dma_wait3A = tpu.memref_slice %arg2[%mul3A_2] : memref<32768xi32, #tpu.memory_space<hbm>> -> memref<512xi32, #tpu.memory_space<hbm>>
    %dma_wait3A_8 = tpu.memref_slice %arg2[%mul3A_2] : memref<32768xi32, #tpu.memory_space<hbm>> -> memref<512xi32, #tpu.memory_space<hbm>>
    tpu.wait_dma2 semaphore(%arg7 : memref<!tpu.dma_semaphore, #tpu.memory_space<semaphore_mem>>) src(%dma_wait3A_8 : memref<512xi32, #tpu.memory_space<hbm>>) dst(%arg4 : memref<512xi32, #tpu.memory_space<vmem>>)
    %dma_wait3A_9 = tpu.memref_slice %arg2[%add3A_5] : memref<32768xi32, #tpu.memory_space<hbm>> -> memref<512xi32, #tpu.memory_space<hbm>>
    %dma_wait3A_10 = tpu.memref_slice %arg2[%add3A_5] : memref<32768xi32, #tpu.memory_space<hbm>> -> memref<512xi32, #tpu.memory_space<hbm>>
    tpu.wait_dma2 semaphore(%arg8 : memref<!tpu.dma_semaphore, #tpu.memory_space<semaphore_mem>>) src(%dma_wait3A_10 : memref<512xi32, #tpu.memory_space<hbm>>) dst(%arg5 : memref<512xi32, #tpu.memory_space<vmem>>)
    %while3A = arith.constant 0 : i64
    %while3A_11 = arith.constant 0 : i32
    %while3A_12 = arith.constant 32 : i32
    %while3A_13 = arith.subi %while3A_12, %while3A_11 : i32
    %while3A_14 = arith.addi %while3A_11, %while3A_13 : i32
    %while3A_15 = arith.constant 1 : i32
    %while3A_16 = arith.divsi %while3A_13, %while3A_15 : i32
    %while3A_17 = arith.muli %while3A_16, %while3A_15 : i32
    %while3A_18 = arith.addi %while3A_11, %while3A_17 : i32
    %while3A_19 = arith.constant 1 : i32
    scf.for %while3A_21 = %while3A_11 to %while3A_18 step %while3A_19  : i32 {
      %mul3A_22 = arith.constant 16 : i32
      %mul3A_23 = arith.muli %while3A_21, %mul3A_22 : i32
      %get3A = arith.index_cast %mul3A_23 : i32 to index
      %get3A_24 = tpu.vector_load %arg4[%get3A] {strides = array<i32>} : memref<512xi32, #tpu.memory_space<vmem>>, vector<16xi32>,
      %get3A_25 = vector.shape_cast %get3A_24 : vector<16xi32> to vector<16xi32>
      %get3A_26 = arith.index_cast %mul3A_23 : i32 to index
      %get3A_27 = tpu.vector_load %arg5[%get3A_26] {strides = array<i32>} : memref<512xi32, #tpu.memory_space<vmem>>, vector<16xi32>,
      %get3A_28 = vector.shape_cast %get3A_27 : vector<16xi32> to vector<16xi32>
      %shift_right_logical3A = arith.constant 16 : i32
      %shift_right_logical3A_29 = vector.broadcast %shift_right_logical3A : i32 to vector<16xi32>
      %shift_right_logical3A_30 = arith.shrui %get3A_25, %shift_right_logical3A_29 : vector<16xi32>
      %and3A = arith.constant 65535 : i32
      %and3A_31 = vector.broadcast %and3A : i32 to vector<16xi32>
      %and3A_32 = arith.andi %get3A_25, %and3A_31 : vector<16xi32>
      %mul3A_33 = arith.constant 58809 : i32
      %mul3A_34 = vector.broadcast %mul3A_33 : i32 to vector<16xi32>
      %mul3A_35 = arith.muli %and3A_32, %mul3A_34 : vector<16xi32>
      %mul3A_36 = arith.constant 7396 : i32
      %mul3A_37 = vector.broadcast %mul3A_36 : i32 to vector<16xi32>
      %mul3A_38 = arith.muli %and3A_32, %mul3A_37 : vector<16xi32>
      %mul3A_39 = arith.constant 58809 : i32
      %mul3A_40 = vector.broadcast %mul3A_39 : i32 to vector<16xi32>
      %mul3A_41 = arith.muli %shift_right_logical3A_30, %mul3A_40 : vector<16xi32>
      %mul3A_42 = arith.constant 7396 : i32
      %mul3A_43 = vector.broadcast %mul3A_42 : i32 to vector<16xi32>
      %mul3A_44 = arith.muli %shift_right_logical3A_30, %mul3A_43 : vector<16xi32>
      %add3A_45 = arith.addi %mul3A_38, %mul3A_41 : vector<16xi32>
      %shift_left3A = arith.constant 16 : i32
      %shift_left3A_46 = vector.broadcast %shift_left3A : i32 to vector<16xi32>
      %shift_left3A_47 = arith.shli %add3A_45, %shift_left3A_46 : vector<16xi32>
      %add3A_48 = arith.addi %mul3A_35, %shift_left3A_47 : vector<16xi32>
      %lt3A = arith.cmpi ult, %add3A_48, %mul3A_35 : vector<16xi32>
      %jit3A = arith.constant 1 : i32
      %jit3A_49 = arith.constant 0 : i32
      %broadcast_in_dim3A = vector.broadcast %jit3A : i32 to vector<16xi32>
      %broadcast_in_dim3A_50 = vector.broadcast %jit3A_49 : i32 to vector<16xi32>
      %select_n3A = arith.select %lt3A, %broadcast_in_dim3A, %broadcast_in_dim3A_50 : vector<16xi1>, vector<16xi32>
      %shift_right_logical3A_51 = arith.constant 16 : i32
      %shift_right_logical3A_52 = vector.broadcast %shift_right_logical3A_51 : i32 to vector<16xi32>
      %shift_right_logical3A_53 = arith.shrui %add3A_45, %shift_right_logical3A_52 : vector<16xi32>
      %add3A_54 = arith.addi %mul3A_44, %shift_right_logical3A_53 : vector<16xi32>
      %add3A_55 = arith.addi %add3A_54, %select_n3A : vector<16xi32>
      %mul3A_56 = arith.constant -1084733587 : i32
      %mul3A_57 = vector.broadcast %mul3A_56 : i32 to vector<16xi32>
      %mul3A_58 = arith.muli %get3A_25, %mul3A_57 : vector<16xi32>
      %add3A_59 = arith.addi %add3A_55, %mul3A_58 : vector<16xi32>
      %shift_right_logical3A_60 = arith.constant 27 : i32
      %shift_right_logical3A_61 = vector.broadcast %shift_right_logical3A_60 : i32 to vector<16xi32>
      %shift_right_logical3A_62 = arith.shrui %add3A_48, %shift_right_logical3A_61 : vector<16xi32>
      %shift_left3A_63 = arith.constant 5 : i32
      %shift_left3A_64 = vector.broadcast %shift_left3A_63 : i32 to vector<16xi32>
      %shift_left3A_65 = arith.shli %add3A_59, %shift_left3A_64 : vector<16xi32>
      %or3A = arith.ori %shift_right_logical3A_62, %shift_left3A_65 : vector<16xi32>
      %shift_right_logical3A_66 = arith.constant 27 : i32
      %shift_right_logical3A_67 = vector.broadcast %shift_right_logical3A_66 : i32 to vector<16xi32>
      %shift_right_logical3A_68 = arith.shrui %add3A_59, %shift_right_logical3A_67 : vector<16xi32>
      %xor3A = arith.xori %add3A_59, %shift_right_logical3A_68 : vector<16xi32>
      %xor3A_69 = arith.xori %add3A_48, %or3A : vector<16xi32>
      %shift_right_logical3A_70 = arith.constant 16 : i32
      %shift_right_logical3A_71 = vector.broadcast %shift_right_logical3A_70 : i32 to vector<16xi32>
      %shift_right_logical3A_72 = arith.shrui %xor3A_69, %shift_right_logical3A_71 : vector<16xi32>
      %and3A_73 = arith.constant 65535 : i32
      %and3A_74 = vector.broadcast %and3A_73 : i32 to vector<16xi32>
      %and3A_75 = arith.andi %xor3A_69, %and3A_74 : vector<16xi32>
      %mul3A_76 = arith.constant 4587 : i32
      %mul3A_77 = vector.broadcast %mul3A_76 : i32 to vector<16xi32>
      %mul3A_78 = arith.muli %and3A_75, %mul3A_77 : vector<16xi32>
      %mul3A_79 = arith.constant 4913 : i32
      %mul3A_80 = vector.broadcast %mul3A_79 : i32 to vector<16xi32>
      %mul3A_81 = arith.muli %and3A_75, %mul3A_80 : vector<16xi32>
      %mul3A_82 = arith.constant 4587 : i32
      %mul3A_83 = vector.broadcast %mul3A_82 : i32 to vector<16xi32>
      %mul3A_84 = arith.muli %shift_right_logical3A_72, %mul3A_83 : vector<16xi32>
      %mul3A_85 = arith.constant 4913 : i32
      %mul3A_86 = vector.broadcast %mul3A_85 : i32 to vector<16xi32>
      %mul3A_87 = arith.muli %shift_right_logical3A_72, %mul3A_86 : vector<16xi32>
      %add3A_88 = arith.addi %mul3A_81, %mul3A_84 : vector<16xi32>
      %shift_left3A_89 = arith.constant 16 : i32
      %shift_left3A_90 = vector.broadcast %shift_left3A_89 : i32 to vector<16xi32>
      %shift_left3A_91 = arith.shli %add3A_88, %shift_left3A_90 : vector<16xi32>
      %add3A_92 = arith.addi %mul3A_78, %shift_left3A_91 : vector<16xi32>
      %lt3A_93 = arith.cmpi ult, %add3A_92, %mul3A_78 : vector<16xi32>
      %jit3A_94 = arith.constant 1 : i32
      %jit3A_95 = arith.constant 0 : i32
      %broadcast_in_dim3A_96 = vector.broadcast %jit3A_94 : i32 to vector<16xi32>
      %broadcast_in_dim3A_97 = vector.broadcast %jit3A_95 : i32 to vector<16xi32>
      %select_n3A_98 = arith.select %lt3A_93, %broadcast_in_dim3A_96, %broadcast_in_dim3A_97 : vector<16xi1>, vector<16xi32>
      %shift_right_logical3A_99 = arith.constant 16 : i32
      %shift_right_logical3A_100 = vector.broadcast %shift_right_logical3A_99 : i32 to vector<16xi32>
      %shift_right_logical3A_101 = arith.shrui %add3A_88, %shift_right_logical3A_100 : vector<16xi32>
      %add3A_102 = arith.addi %mul3A_87, %shift_right_logical3A_101 : vector<16xi32>
      %add3A_103 = arith.addi %add3A_102, %select_n3A_98 : vector<16xi32>
      %mul3A_104 = arith.constant -1798288965 : i32
      %mul3A_105 = vector.broadcast %mul3A_104 : i32 to vector<16xi32>
      %mul3A_106 = arith.muli %xor3A_69, %mul3A_105 : vector<16xi32>
      %add3A_107 = arith.addi %add3A_103, %mul3A_106 : vector<16xi32>
      %mul3A_108 = arith.constant 321982955 : i32
      %mul3A_109 = vector.broadcast %mul3A_108 : i32 to vector<16xi32>
      %mul3A_110 = arith.muli %xor3A, %mul3A_109 : vector<16xi32>
      %add3A_111 = arith.addi %add3A_107, %mul3A_110 : vector<16xi32>
      %shift_right_logical3A_112 = arith.constant 31 : i32
      %shift_right_logical3A_113 = vector.broadcast %shift_right_logical3A_112 : i32 to vector<16xi32>
      %shift_right_logical3A_114 = arith.shrui %add3A_92, %shift_right_logical3A_113 : vector<16xi32>
      %shift_left3A_115 = arith.constant 1 : i32
      %shift_left3A_116 = vector.broadcast %shift_left3A_115 : i32 to vector<16xi32>
      %shift_left3A_117 = arith.shli %add3A_111, %shift_left3A_116 : vector<16xi32>
      %or3A_118 = arith.ori %shift_right_logical3A_114, %shift_left3A_117 : vector<16xi32>
      %shift_right_logical3A_119 = arith.constant 31 : i32
      %shift_right_logical3A_120 = vector.broadcast %shift_right_logical3A_119 : i32 to vector<16xi32>
      %shift_right_logical3A_121 = arith.shrui %add3A_111, %shift_right_logical3A_120 : vector<16xi32>
      %xor3A_122 = arith.xori %add3A_111, %shift_right_logical3A_121 : vector<16xi32>
      %xor3A_123 = arith.xori %add3A_92, %or3A_118 : vector<16xi32>
      %shift_right_logical3A_124 = arith.constant 16 : i32
      %shift_right_logical3A_125 = vector.broadcast %shift_right_logical3A_124 : i32 to vector<16xi32>
      %shift_right_logical3A_126 = arith.shrui %get3A_28, %shift_right_logical3A_125 : vector<16xi32>
      %and3A_127 = arith.constant 65535 : i32
      %and3A_128 = vector.broadcast %and3A_127 : i32 to vector<16xi32>
      %and3A_129 = arith.andi %get3A_28, %and3A_128 : vector<16xi32>
      %mul3A_130 = arith.constant 58809 : i32
      %mul3A_131 = vector.broadcast %mul3A_130 : i32 to vector<16xi32>
      %mul3A_132 = arith.muli %and3A_129, %mul3A_131 : vector<16xi32>
      %mul3A_133 = arith.constant 7396 : i32
      %mul3A_134 = vector.broadcast %mul3A_133 : i32 to vector<16xi32>
      %mul3A_135 = arith.muli %and3A_129, %mul3A_134 : vector<16xi32>
      %mul3A_136 = arith.constant 58809 : i32
      %mul3A_137 = vector.broadcast %mul3A_136 : i32 to vector<16xi32>
      %mul3A_138 = arith.muli %shift_right_logical3A_126, %mul3A_137 : vector<16xi32>
      %mul3A_139 = arith.constant 7396 : i32
      %mul3A_140 = vector.broadcast %mul3A_139 : i32 to vector<16xi32>
      %mul3A_141 = arith.muli %shift_right_logical3A_126, %mul3A_140 : vector<16xi32>
      %add3A_142 = arith.addi %mul3A_135, %mul3A_138 : vector<16xi32>
      %shift_left3A_143 = arith.constant 16 : i32
      %shift_left3A_144 = vector.broadcast %shift_left3A_143 : i32 to vector<16xi32>
      %shift_left3A_145 = arith.shli %add3A_142, %shift_left3A_144 : vector<16xi32>
      %add3A_146 = arith.addi %mul3A_132, %shift_left3A_145 : vector<16xi32>
      %lt3A_147 = arith.cmpi ult, %add3A_146, %mul3A_132 : vector<16xi32>
      %jit3A_148 = arith.constant 1 : i32
      %jit3A_149 = arith.constant 0 : i32
      %broadcast_in_dim3A_150 = vector.broadcast %jit3A_148 : i32 to vector<16xi32>
      %broadcast_in_dim3A_151 = vector.broadcast %jit3A_149 : i32 to vector<16xi32>
      %select_n3A_152 = arith.select %lt3A_147, %broadcast_in_dim3A_150, %broadcast_in_dim3A_151 : vector<16xi1>, vector<16xi32>
      %shift_right_logical3A_153 = arith.constant 16 : i32
      %shift_right_logical3A_154 = vector.broadcast %shift_right_logical3A_153 : i32 to vector<16xi32>
      %shift_right_logical3A_155 = arith.shrui %add3A_142, %shift_right_logical3A_154 : vector<16xi32>
      %add3A_156 = arith.addi %mul3A_141, %shift_right_logical3A_155 : vector<16xi32>
      %add3A_157 = arith.addi %add3A_156, %select_n3A_152 : vector<16xi32>
      %mul3A_158 = arith.constant -1084733587 : i32
      %mul3A_159 = vector.broadcast %mul3A_158 : i32 to vector<16xi32>
      %mul3A_160 = arith.muli %get3A_28, %mul3A_159 : vector<16xi32>
      %add3A_161 = arith.addi %add3A_157, %mul3A_160 : vector<16xi32>
      %shift_right_logical3A_162 = arith.constant 27 : i32
      %shift_right_logical3A_163 = vector.broadcast %shift_right_logical3A_162 : i32 to vector<16xi32>
      %shift_right_logical3A_164 = arith.shrui %add3A_146, %shift_right_logical3A_163 : vector<16xi32>
      %shift_left3A_165 = arith.constant 5 : i32
      %shift_left3A_166 = vector.broadcast %shift_left3A_165 : i32 to vector<16xi32>
      %shift_left3A_167 = arith.shli %add3A_161, %shift_left3A_166 : vector<16xi32>
      %or3A_168 = arith.ori %shift_right_logical3A_164, %shift_left3A_167 : vector<16xi32>
      %shift_right_logical3A_169 = arith.constant 27 : i32
      %shift_right_logical3A_170 = vector.broadcast %shift_right_logical3A_169 : i32 to vector<16xi32>
      %shift_right_logical3A_171 = arith.shrui %add3A_161, %shift_right_logical3A_170 : vector<16xi32>
      %xor3A_172 = arith.xori %add3A_161, %shift_right_logical3A_171 : vector<16xi32>
      %xor3A_173 = arith.xori %add3A_146, %or3A_168 : vector<16xi32>
      %shift_right_logical3A_174 = arith.constant 16 : i32
      %shift_right_logical3A_175 = vector.broadcast %shift_right_logical3A_174 : i32 to vector<16xi32>
      %shift_right_logical3A_176 = arith.shrui %xor3A_173, %shift_right_logical3A_175 : vector<16xi32>
      %and3A_177 = arith.constant 65535 : i32
      %and3A_178 = vector.broadcast %and3A_177 : i32 to vector<16xi32>
      %and3A_179 = arith.andi %xor3A_173, %and3A_178 : vector<16xi32>
      %mul3A_180 = arith.constant 4587 : i32
      %mul3A_181 = vector.broadcast %mul3A_180 : i32 to vector<16xi32>
      %mul3A_182 = arith.muli %and3A_179, %mul3A_181 : vector<16xi32>
      %mul3A_183 = arith.constant 4913 : i32
      %mul3A_184 = vector.broadcast %mul3A_183 : i32 to vector<16xi32>
      %mul3A_185 = arith.muli %and3A_179, %mul3A_184 : vector<16xi32>
      %mul3A_186 = arith.constant 4587 : i32
      %mul3A_187 = vector.broadcast %mul3A_186 : i32 to vector<16xi32>
      %mul3A_188 = arith.muli %shift_right_logical3A_176, %mul3A_187 : vector<16xi32>
      %mul3A_189 = arith.constant 4913 : i32
      %mul3A_190 = vector.broadcast %mul3A_189 : i32 to vector<16xi32>
      %mul3A_191 = arith.muli %shift_right_logical3A_176, %mul3A_190 : vector<16xi32>
      %add3A_192 = arith.addi %mul3A_185, %mul3A_188 : vector<16xi32>
      %shift_left3A_193 = arith.constant 16 : i32
      %shift_left3A_194 = vector.broadcast %shift_left3A_193 : i32 to vector<16xi32>
      %shift_left3A_195 = arith.shli %add3A_192, %shift_left3A_194 : vector<16xi32>
      %add3A_196 = arith.addi %mul3A_182, %shift_left3A_195 : vector<16xi32>
      %lt3A_197 = arith.cmpi ult, %add3A_196, %mul3A_182 : vector<16xi32>
      %jit3A_198 = arith.constant 1 : i32
      %jit3A_199 = arith.constant 0 : i32
      %broadcast_in_dim3A_200 = vector.broadcast %jit3A_198 : i32 to vector<16xi32>
      %broadcast_in_dim3A_201 = vector.broadcast %jit3A_199 : i32 to vector<16xi32>
      %select_n3A_202 = arith.select %lt3A_197, %broadcast_in_dim3A_200, %broadcast_in_dim3A_201 : vector<16xi1>, vector<16xi32>
      %shift_right_logical3A_203 = arith.constant 16 : i32
      %shift_right_logical3A_204 = vector.broadcast %shift_right_logical3A_203 : i32 to vector<16xi32>
      %shift_right_logical3A_205 = arith.shrui %add3A_192, %shift_right_logical3A_204 : vector<16xi32>
      %add3A_206 = arith.addi %mul3A_191, %shift_right_logical3A_205 : vector<16xi32>
      %add3A_207 = arith.addi %add3A_206, %select_n3A_202 : vector<16xi32>
      %mul3A_208 = arith.constant -1798288965 : i32
      %mul3A_209 = vector.broadcast %mul3A_208 : i32 to vector<16xi32>
      %mul3A_210 = arith.muli %xor3A_173, %mul3A_209 : vector<16xi32>
      %add3A_211 = arith.addi %add3A_207, %mul3A_210 : vector<16xi32>
      %mul3A_212 = arith.constant 321982955 : i32
      %mul3A_213 = vector.broadcast %mul3A_212 : i32 to vector<16xi32>
      %mul3A_214 = arith.muli %xor3A_172, %mul3A_213 : vector<16xi32>
      %add3A_215 = arith.addi %add3A_211, %mul3A_214 : vector<16xi32>
      %shift_right_logical3A_216 = arith.constant 31 : i32
      %shift_right_logical3A_217 = vector.broadcast %shift_right_logical3A_216 : i32 to vector<16xi32>
      %shift_right_logical3A_218 = arith.shrui %add3A_196, %shift_right_logical3A_217 : vector<16xi32>
      %shift_left3A_219 = arith.constant 1 : i32
      %shift_left3A_220 = vector.broadcast %shift_left3A_219 : i32 to vector<16xi32>
      %shift_left3A_221 = arith.shli %add3A_215, %shift_left3A_220 : vector<16xi32>
      %or3A_222 = arith.ori %shift_right_logical3A_218, %shift_left3A_221 : vector<16xi32>
      %shift_right_logical3A_223 = arith.constant 31 : i32
      %shift_right_logical3A_224 = vector.broadcast %shift_right_logical3A_223 : i32 to vector<16xi32>
      %shift_right_logical3A_225 = arith.shrui %add3A_215, %shift_right_logical3A_224 : vector<16xi32>
      %xor3A_226 = arith.xori %add3A_215, %shift_right_logical3A_225 : vector<16xi32>
      %xor3A_227 = arith.xori %add3A_196, %or3A_222 : vector<16xi32>
      %shift_right_logical3A_228 = arith.constant 16 : i32
      %shift_right_logical3A_229 = vector.broadcast %shift_right_logical3A_228 : i32 to vector<16xi32>
      %shift_right_logical3A_230 = arith.shrui %xor3A_227, %shift_right_logical3A_229 : vector<16xi32>
      %and3A_231 = arith.constant 65535 : i32
      %and3A_232 = vector.broadcast %and3A_231 : i32 to vector<16xi32>
      %and3A_233 = arith.andi %xor3A_227, %and3A_232 : vector<16xi32>
      %mul3A_234 = arith.constant 59797 : i32
      %mul3A_235 = vector.broadcast %mul3A_234 : i32 to vector<16xi32>
      %mul3A_236 = arith.muli %and3A_233, %mul3A_235 : vector<16xi32>
      %mul3A_237 = arith.constant 23505 : i32
      %mul3A_238 = vector.broadcast %mul3A_237 : i32 to vector<16xi32>
      %mul3A_239 = arith.muli %and3A_233, %mul3A_238 : vector<16xi32>
      %mul3A_240 = arith.constant 59797 : i32
      %mul3A_241 = vector.broadcast %mul3A_240 : i32 to vector<16xi32>
      %mul3A_242 = arith.muli %shift_right_logical3A_230, %mul3A_241 : vector<16xi32>
      %mul3A_243 = arith.constant 23505 : i32
      %mul3A_244 = vector.broadcast %mul3A_243 : i32 to vector<16xi32>
      %mul3A_245 = arith.muli %shift_right_logical3A_230, %mul3A_244 : vector<16xi32>
      %add3A_246 = arith.addi %mul3A_239, %mul3A_242 : vector<16xi32>
      %shift_left3A_247 = arith.constant 16 : i32
      %shift_left3A_248 = vector.broadcast %shift_left3A_247 : i32 to vector<16xi32>
      %shift_left3A_249 = arith.shli %add3A_246, %shift_left3A_248 : vector<16xi32>
      %add3A_250 = arith.addi %mul3A_236, %shift_left3A_249 : vector<16xi32>
      %lt3A_251 = arith.cmpi ult, %add3A_250, %mul3A_236 : vector<16xi32>
      %jit3A_252 = arith.constant 1 : i32
      %jit3A_253 = arith.constant 0 : i32
      %broadcast_in_dim3A_254 = vector.broadcast %jit3A_252 : i32 to vector<16xi32>
      %broadcast_in_dim3A_255 = vector.broadcast %jit3A_253 : i32 to vector<16xi32>
      %select_n3A_256 = arith.select %lt3A_251, %broadcast_in_dim3A_254, %broadcast_in_dim3A_255 : vector<16xi1>, vector<16xi32>
      %shift_right_logical3A_257 = arith.constant 16 : i32
      %shift_right_logical3A_258 = vector.broadcast %shift_right_logical3A_257 : i32 to vector<16xi32>
      %shift_right_logical3A_259 = arith.shrui %add3A_246, %shift_right_logical3A_258 : vector<16xi32>
      %add3A_260 = arith.addi %mul3A_245, %shift_right_logical3A_259 : vector<16xi32>
      %add3A_261 = arith.addi %add3A_260, %select_n3A_256 : vector<16xi32>
      %lt3A_262 = arith.cmpi ult, %add3A_246, %mul3A_239 : vector<16xi32>
      %jit3A_263 = arith.constant 1 : i32
      %jit3A_264 = arith.constant 0 : i32
      %broadcast_in_dim3A_265 = vector.broadcast %jit3A_263 : i32 to vector<16xi32>
      %broadcast_in_dim3A_266 = vector.broadcast %jit3A_264 : i32 to vector<16xi32>
      %select_n3A_267 = arith.select %lt3A_262, %broadcast_in_dim3A_265, %broadcast_in_dim3A_266 : vector<16xi1>, vector<16xi32>
      %shift_left3A_268 = arith.constant 16 : i32
      %shift_left3A_269 = vector.broadcast %shift_left3A_268 : i32 to vector<16xi32>
      %shift_left3A_270 = arith.shli %select_n3A_267, %shift_left3A_269 : vector<16xi32>
      %add3A_271 = arith.addi %add3A_261, %shift_left3A_270 : vector<16xi32>
      %mul3A_272 = arith.constant -962287725 : i32
      %mul3A_273 = vector.broadcast %mul3A_272 : i32 to vector<16xi32>
      %mul3A_274 = arith.muli %xor3A_227, %mul3A_273 : vector<16xi32>
      %add3A_275 = arith.addi %add3A_271, %mul3A_274 : vector<16xi32>
      %mul3A_276 = arith.constant 1540483477 : i32
      %mul3A_277 = vector.broadcast %mul3A_276 : i32 to vector<16xi32>
      %mul3A_278 = arith.muli %xor3A_226, %mul3A_277 : vector<16xi32>
      %add3A_279 = arith.addi %add3A_275, %mul3A_278 : vector<16xi32>
      %shift_right_logical3A_280 = arith.constant 15 : i32
      %shift_right_logical3A_281 = vector.broadcast %shift_right_logical3A_280 : i32 to vector<16xi32>
      %shift_right_logical3A_282 = arith.shrui %add3A_279, %shift_right_logical3A_281 : vector<16xi32>
      %xor3A_283 = arith.xori %add3A_250, %shift_right_logical3A_282 : vector<16xi32>
      %xor3A_284 = arith.xori %add3A_279, %xor3A_122 : vector<16xi32>
      %xor3A_285 = arith.xori %xor3A_283, %xor3A_123 : vector<16xi32>
      %shift_right_logical3A_286 = arith.constant 16 : i32
      %shift_right_logical3A_287 = vector.broadcast %shift_right_logical3A_286 : i32 to vector<16xi32>
      %shift_right_logical3A_288 = arith.shrui %xor3A_285, %shift_right_logical3A_287 : vector<16xi32>
      %and3A_289 = arith.constant 65535 : i32
      %and3A_290 = vector.broadcast %and3A_289 : i32 to vector<16xi32>
      %and3A_291 = arith.andi %xor3A_285, %and3A_290 : vector<16xi32>
      %mul3A_292 = arith.constant 59797 : i32
      %mul3A_293 = vector.broadcast %mul3A_292 : i32 to vector<16xi32>
      %mul3A_294 = arith.muli %and3A_291, %mul3A_293 : vector<16xi32>
      %mul3A_295 = arith.constant 23505 : i32
      %mul3A_296 = vector.broadcast %mul3A_295 : i32 to vector<16xi32>
      %mul3A_297 = arith.muli %and3A_291, %mul3A_296 : vector<16xi32>
      %mul3A_298 = arith.constant 59797 : i32
      %mul3A_299 = vector.broadcast %mul3A_298 : i32 to vector<16xi32>
      %mul3A_300 = arith.muli %shift_right_logical3A_288, %mul3A_299 : vector<16xi32>
      %mul3A_301 = arith.constant 23505 : i32
      %mul3A_302 = vector.broadcast %mul3A_301 : i32 to vector<16xi32>
      %mul3A_303 = arith.muli %shift_right_logical3A_288, %mul3A_302 : vector<16xi32>
      %add3A_304 = arith.addi %mul3A_297, %mul3A_300 : vector<16xi32>
      %shift_left3A_305 = arith.constant 16 : i32
      %shift_left3A_306 = vector.broadcast %shift_left3A_305 : i32 to vector<16xi32>
      %shift_left3A_307 = arith.shli %add3A_304, %shift_left3A_306 : vector<16xi32>
      %add3A_308 = arith.addi %mul3A_294, %shift_left3A_307 : vector<16xi32>
      %lt3A_309 = arith.cmpi ult, %add3A_308, %mul3A_294 : vector<16xi32>
      %jit3A_310 = arith.constant 1 : i32
      %jit3A_311 = arith.constant 0 : i32
      %broadcast_in_dim3A_312 = vector.broadcast %jit3A_310 : i32 to vector<16xi32>
      %broadcast_in_dim3A_313 = vector.broadcast %jit3A_311 : i32 to vector<16xi32>
      %select_n3A_314 = arith.select %lt3A_309, %broadcast_in_dim3A_312, %broadcast_in_dim3A_313 : vector<16xi1>, vector<16xi32>
      %shift_right_logical3A_315 = arith.constant 16 : i32
      %shift_right_logical3A_316 = vector.broadcast %shift_right_logical3A_315 : i32 to vector<16xi32>
      %shift_right_logical3A_317 = arith.shrui %add3A_304, %shift_right_logical3A_316 : vector<16xi32>
      %add3A_318 = arith.addi %mul3A_303, %shift_right_logical3A_317 : vector<16xi32>
      %add3A_319 = arith.addi %add3A_318, %select_n3A_314 : vector<16xi32>
      %lt3A_320 = arith.cmpi ult, %add3A_304, %mul3A_297 : vector<16xi32>
      %jit3A_321 = arith.constant 1 : i32
      %jit3A_322 = arith.constant 0 : i32
      %broadcast_in_dim3A_323 = vector.broadcast %jit3A_321 : i32 to vector<16xi32>
      %broadcast_in_dim3A_324 = vector.broadcast %jit3A_322 : i32 to vector<16xi32>
      %select_n3A_325 = arith.select %lt3A_320, %broadcast_in_dim3A_323, %broadcast_in_dim3A_324 : vector<16xi1>, vector<16xi32>
      %shift_left3A_326 = arith.constant 16 : i32
      %shift_left3A_327 = vector.broadcast %shift_left3A_326 : i32 to vector<16xi32>
      %shift_left3A_328 = arith.shli %select_n3A_325, %shift_left3A_327 : vector<16xi32>
      %add3A_329 = arith.addi %add3A_319, %shift_left3A_328 : vector<16xi32>
      %mul3A_330 = arith.constant -962287725 : i32
      %mul3A_331 = vector.broadcast %mul3A_330 : i32 to vector<16xi32>
      %mul3A_332 = arith.muli %xor3A_285, %mul3A_331 : vector<16xi32>
      %add3A_333 = arith.addi %add3A_329, %mul3A_332 : vector<16xi32>
      %mul3A_334 = arith.constant 1540483477 : i32
      %mul3A_335 = vector.broadcast %mul3A_334 : i32 to vector<16xi32>
      %mul3A_336 = arith.muli %xor3A_284, %mul3A_335 : vector<16xi32>
      %add3A_337 = arith.addi %add3A_333, %mul3A_336 : vector<16xi32>
      %shift_right_logical3A_338 = arith.constant 15 : i32
      %shift_right_logical3A_339 = vector.broadcast %shift_right_logical3A_338 : i32 to vector<16xi32>
      %shift_right_logical3A_340 = arith.shrui %add3A_337, %shift_right_logical3A_339 : vector<16xi32>
      %xor3A_341 = arith.xori %add3A_308, %shift_right_logical3A_340 : vector<16xi32>
      %shift_right_logical3A_342 = arith.constant 16 : i32
      %shift_right_logical3A_343 = vector.broadcast %shift_right_logical3A_342 : i32 to vector<16xi32>
      %shift_right_logical3A_344 = arith.shrui %xor3A_341, %shift_right_logical3A_343 : vector<16xi32>
      %and3A_345 = arith.constant 65535 : i32
      %and3A_346 = vector.broadcast %and3A_345 : i32 to vector<16xi32>
      %and3A_347 = arith.andi %xor3A_341, %and3A_346 : vector<16xi32>
      %mul3A_348 = arith.constant 59797 : i32
      %mul3A_349 = vector.broadcast %mul3A_348 : i32 to vector<16xi32>
      %mul3A_350 = arith.muli %and3A_347, %mul3A_349 : vector<16xi32>
      %mul3A_351 = arith.constant 23505 : i32
      %mul3A_352 = vector.broadcast %mul3A_351 : i32 to vector<16xi32>
      %mul3A_353 = arith.muli %and3A_347, %mul3A_352 : vector<16xi32>
      %mul3A_354 = arith.constant 59797 : i32
      %mul3A_355 = vector.broadcast %mul3A_354 : i32 to vector<16xi32>
      %mul3A_356 = arith.muli %shift_right_logical3A_344, %mul3A_355 : vector<16xi32>
      %mul3A_357 = arith.constant 23505 : i32
      %mul3A_358 = vector.broadcast %mul3A_357 : i32 to vector<16xi32>
      %mul3A_359 = arith.muli %shift_right_logical3A_344, %mul3A_358 : vector<16xi32>
      %add3A_360 = arith.addi %mul3A_353, %mul3A_356 : vector<16xi32>
      %shift_left3A_361 = arith.constant 16 : i32
      %shift_left3A_362 = vector.broadcast %shift_left3A_361 : i32 to vector<16xi32>
      %shift_left3A_363 = arith.shli %add3A_360, %shift_left3A_362 : vector<16xi32>
      %add3A_364 = arith.addi %mul3A_350, %shift_left3A_363 : vector<16xi32>
      %lt3A_365 = arith.cmpi ult, %add3A_364, %mul3A_350 : vector<16xi32>
      %jit3A_366 = arith.constant 1 : i32
      %jit3A_367 = arith.constant 0 : i32
      %broadcast_in_dim3A_368 = vector.broadcast %jit3A_366 : i32 to vector<16xi32>
      %broadcast_in_dim3A_369 = vector.broadcast %jit3A_367 : i32 to vector<16xi32>
      %select_n3A_370 = arith.select %lt3A_365, %broadcast_in_dim3A_368, %broadcast_in_dim3A_369 : vector<16xi1>, vector<16xi32>
      %shift_right_logical3A_371 = arith.constant 16 : i32
      %shift_right_logical3A_372 = vector.broadcast %shift_right_logical3A_371 : i32 to vector<16xi32>
      %shift_right_logical3A_373 = arith.shrui %add3A_360, %shift_right_logical3A_372 : vector<16xi32>
      %add3A_374 = arith.addi %mul3A_359, %shift_right_logical3A_373 : vector<16xi32>
      %add3A_375 = arith.addi %add3A_374, %select_n3A_370 : vector<16xi32>
      %lt3A_376 = arith.cmpi ult, %add3A_360, %mul3A_353 : vector<16xi32>
      %jit3A_377 = arith.constant 1 : i32
      %jit3A_378 = arith.constant 0 : i32
      %broadcast_in_dim3A_379 = vector.broadcast %jit3A_377 : i32 to vector<16xi32>
      %broadcast_in_dim3A_380 = vector.broadcast %jit3A_378 : i32 to vector<16xi32>
      %select_n3A_381 = arith.select %lt3A_376, %broadcast_in_dim3A_379, %broadcast_in_dim3A_380 : vector<16xi1>, vector<16xi32>
      %shift_left3A_382 = arith.constant 16 : i32
      %shift_left3A_383 = vector.broadcast %shift_left3A_382 : i32 to vector<16xi32>
      %shift_left3A_384 = arith.shli %select_n3A_381, %shift_left3A_383 : vector<16xi32>
      %add3A_385 = arith.addi %add3A_375, %shift_left3A_384 : vector<16xi32>
      %mul3A_386 = arith.constant -962287725 : i32
      %mul3A_387 = vector.broadcast %mul3A_386 : i32 to vector<16xi32>
      %mul3A_388 = arith.muli %xor3A_341, %mul3A_387 : vector<16xi32>
      %add3A_389 = arith.addi %add3A_385, %mul3A_388 : vector<16xi32>
      %mul3A_390 = arith.constant 1540483477 : i32
      %mul3A_391 = vector.broadcast %mul3A_390 : i32 to vector<16xi32>
      %mul3A_392 = arith.muli %add3A_337, %mul3A_391 : vector<16xi32>
      %add3A_393 = arith.addi %add3A_389, %mul3A_392 : vector<16xi32>
      %and3A_394 = arith.constant 65535 : i32
      %and3A_395 = vector.broadcast %and3A_394 : i32 to vector<16xi32>
      %and3A_396 = arith.andi %add3A_364, %and3A_395 : vector<16xi32>
      %shift_right_logical3A_397 = arith.constant 16 : i32
      %shift_right_logical3A_398 = vector.broadcast %shift_right_logical3A_397 : i32 to vector<16xi32>
      %shift_right_logical3A_399 = arith.shrui %add3A_364, %shift_right_logical3A_398 : vector<16xi32>
      %and3A_400 = arith.constant 65535 : i32
      %and3A_401 = vector.broadcast %and3A_400 : i32 to vector<16xi32>
      %and3A_402 = arith.andi %add3A_393, %and3A_401 : vector<16xi32>
      %shift_right_logical3A_403 = arith.constant 16 : i32
      %shift_right_logical3A_404 = vector.broadcast %shift_right_logical3A_403 : i32 to vector<16xi32>
      %shift_right_logical3A_405 = arith.shrui %add3A_393, %shift_right_logical3A_404 : vector<16xi32>
      %mul3A_406 = arith.constant 3036 : i32
      %mul3A_407 = vector.broadcast %mul3A_406 : i32 to vector<16xi32>
      %mul3A_408 = arith.muli %shift_right_logical3A_399, %mul3A_407 : vector<16xi32>
      %add3A_409 = arith.addi %and3A_396, %mul3A_408 : vector<16xi32>
      %mul3A_410 = arith.constant 14171 : i32
      %mul3A_411 = vector.broadcast %mul3A_410 : i32 to vector<16xi32>
      %mul3A_412 = arith.muli %and3A_402, %mul3A_411 : vector<16xi32>
      %add3A_413 = arith.addi %add3A_409, %mul3A_412 : vector<16xi32>
      %mul3A_414 = arith.constant 7531 : i32
      %mul3A_415 = vector.broadcast %mul3A_414 : i32 to vector<16xi32>
      %mul3A_416 = arith.muli %shift_right_logical3A_405, %mul3A_415 : vector<16xi32>
      %add3A_417 = arith.addi %add3A_413, %mul3A_416 : vector<16xi32>
      %convert_element_type3A = arith.sitofp %add3A_417 : vector<16xi32> to vector<16xf32>
      %mul3A_418 = arith.constant 6.400000e-05 : f32
      %mul3A_419 = vector.broadcast %mul3A_418 : f32 to vector<16xf32>
      %mul3A_420 = arith.mulf %convert_element_type3A, %mul3A_419 : vector<16xf32>
      %convert_element_type3A_421 = arith.fptosi %mul3A_420 : vector<16xf32> to vector<16xi32>
      %mul3A_422 = arith.constant 15625 : i32
      %mul3A_423 = vector.broadcast %mul3A_422 : i32 to vector<16xi32>
      %mul3A_424 = arith.muli %convert_element_type3A_421, %mul3A_423 : vector<16xi32>
      %sub3A = arith.subi %add3A_417, %mul3A_424 : vector<16xi32>
      %lt3A_425 = arith.constant 0 : i32
      %lt3A_426 = vector.broadcast %lt3A_425 : i32 to vector<16xi32>
      %lt3A_427 = arith.cmpi slt, %sub3A, %lt3A_426 : vector<16xi32>
      %add3A_428 = arith.constant 15625 : i32
      %add3A_429 = vector.broadcast %add3A_428 : i32 to vector<16xi32>
      %add3A_430 = arith.addi %sub3A, %add3A_429 : vector<16xi32>
      %select_n3A_431 = arith.select %lt3A_427, %add3A_430, %sub3A : vector<16xi1>, vector<16xi32>
      %ge3A = arith.constant 15625 : i32
      %ge3A_432 = vector.broadcast %ge3A : i32 to vector<16xi32>
      %ge3A_433 = arith.cmpi sge, %select_n3A_431, %ge3A_432 : vector<16xi32>
      %sub3A_434 = arith.constant 15625 : i32
      %sub3A_435 = vector.broadcast %sub3A_434 : i32 to vector<16xi32>
      %sub3A_436 = arith.subi %select_n3A_431, %sub3A_435 : vector<16xi32>
      %select_n3A_437 = arith.select %ge3A_433, %sub3A_436, %select_n3A_431 : vector<16xi1>, vector<16xi32>
      %and3A_438 = arith.constant 63 : i32
      %and3A_439 = vector.broadcast %and3A_438 : i32 to vector<16xi32>
      %and3A_440 = arith.andi %add3A_364, %and3A_439 : vector<16xi32>
      %sub3A_441 = arith.subi %and3A_440, %select_n3A_437 : vector<16xi32>
      %and3A_442 = arith.constant 63 : i32
      %and3A_443 = vector.broadcast %and3A_442 : i32 to vector<16xi32>
      %and3A_444 = arith.andi %sub3A_441, %and3A_443 : vector<16xi32>
      %mul3A_445 = arith.constant 57 : i32
      %mul3A_446 = vector.broadcast %mul3A_445 : i32 to vector<16xi32>
      %mul3A_447 = arith.muli %and3A_444, %mul3A_446 : vector<16xi32>
      %and3A_448 = arith.constant 63 : i32
      %and3A_449 = vector.broadcast %and3A_448 : i32 to vector<16xi32>
      %and3A_450 = arith.andi %mul3A_447, %and3A_449 : vector<16xi32>
      %mul3A_451 = arith.constant 15625 : i32
      %mul3A_452 = vector.broadcast %mul3A_451 : i32 to vector<16xi32>
      %mul3A_453 = arith.muli %mul3A_452, %and3A_450 : vector<16xi32>
      %add3A_454 = arith.addi %select_n3A_437, %mul3A_453 : vector<16xi32>
      %swap3A = arith.index_cast %mul3A_23 : i32 to index
      %swap3A_455 = tpu.vector_load %arg6[%swap3A] {strides = array<i32>} : memref<512xi32, #tpu.memory_space<vmem>>, vector<16xi32>,
      %swap3A_456 = vector.shape_cast %swap3A_455 : vector<16xi32> to vector<16xi32>
      %swap3A_457 = vector.shape_cast %add3A_454 : vector<16xi32> to vector<16xi32>
      tpu.vector_store %arg6[%swap3A], %swap3A_457 {strides = array<i32>} : memref<512xi32, #tpu.memory_space<vmem>>, vector<16xi32>,
    }
    %while3A_20 = arith.constant 1 : i32
    scf.for %while3A_21 = %while3A_18 to %while3A_14 step %while3A_20  : i32 {
      %mul3A_22 = arith.constant 16 : i32
      %mul3A_23 = arith.muli %while3A_21, %mul3A_22 : i32
      %get3A = arith.index_cast %mul3A_23 : i32 to index
      %get3A_24 = tpu.vector_load %arg4[%get3A] {strides = array<i32>} : memref<512xi32, #tpu.memory_space<vmem>>, vector<16xi32>,
      %get3A_25 = vector.shape_cast %get3A_24 : vector<16xi32> to vector<16xi32>
      %get3A_26 = arith.index_cast %mul3A_23 : i32 to index
      %get3A_27 = tpu.vector_load %arg5[%get3A_26] {strides = array<i32>} : memref<512xi32, #tpu.memory_space<vmem>>, vector<16xi32>,
      %get3A_28 = vector.shape_cast %get3A_27 : vector<16xi32> to vector<16xi32>
      %shift_right_logical3A = arith.constant 16 : i32
      %shift_right_logical3A_29 = vector.broadcast %shift_right_logical3A : i32 to vector<16xi32>
      %shift_right_logical3A_30 = arith.shrui %get3A_25, %shift_right_logical3A_29 : vector<16xi32>
      %and3A = arith.constant 65535 : i32
      %and3A_31 = vector.broadcast %and3A : i32 to vector<16xi32>
      %and3A_32 = arith.andi %get3A_25, %and3A_31 : vector<16xi32>
      %mul3A_33 = arith.constant 58809 : i32
      %mul3A_34 = vector.broadcast %mul3A_33 : i32 to vector<16xi32>
      %mul3A_35 = arith.muli %and3A_32, %mul3A_34 : vector<16xi32>
      %mul3A_36 = arith.constant 7396 : i32
      %mul3A_37 = vector.broadcast %mul3A_36 : i32 to vector<16xi32>
      %mul3A_38 = arith.muli %and3A_32, %mul3A_37 : vector<16xi32>
      %mul3A_39 = arith.constant 58809 : i32
      %mul3A_40 = vector.broadcast %mul3A_39 : i32 to vector<16xi32>
      %mul3A_41 = arith.muli %shift_right_logical3A_30, %mul3A_40 : vector<16xi32>
      %mul3A_42 = arith.constant 7396 : i32
      %mul3A_43 = vector.broadcast %mul3A_42 : i32 to vector<16xi32>
      %mul3A_44 = arith.muli %shift_right_logical3A_30, %mul3A_43 : vector<16xi32>
      %add3A_45 = arith.addi %mul3A_38, %mul3A_41 : vector<16xi32>
      %shift_left3A = arith.constant 16 : i32
      %shift_left3A_46 = vector.broadcast %shift_left3A : i32 to vector<16xi32>
      %shift_left3A_47 = arith.shli %add3A_45, %shift_left3A_46 : vector<16xi32>
      %add3A_48 = arith.addi %mul3A_35, %shift_left3A_47 : vector<16xi32>
      %lt3A = arith.cmpi ult, %add3A_48, %mul3A_35 : vector<16xi32>
      %jit3A = arith.constant 1 : i32
      %jit3A_49 = arith.constant 0 : i32
      %broadcast_in_dim3A = vector.broadcast %jit3A : i32 to vector<16xi32>
      %broadcast_in_dim3A_50 = vector.broadcast %jit3A_49 : i32 to vector<16xi32>
      %select_n3A = arith.select %lt3A, %broadcast_in_dim3A, %broadcast_in_dim3A_50 : vector<16xi1>, vector<16xi32>
      %shift_right_logical3A_51 = arith.constant 16 : i32
      %shift_right_logical3A_52 = vector.broadcast %shift_right_logical3A_51 : i32 to vector<16xi32>
      %shift_right_logical3A_53 = arith.shrui %add3A_45, %shift_right_logical3A_52 : vector<16xi32>
      %add3A_54 = arith.addi %mul3A_44, %shift_right_logical3A_53 : vector<16xi32>
      %add3A_55 = arith.addi %add3A_54, %select_n3A : vector<16xi32>
      %mul3A_56 = arith.constant -1084733587 : i32
      %mul3A_57 = vector.broadcast %mul3A_56 : i32 to vector<16xi32>
      %mul3A_58 = arith.muli %get3A_25, %mul3A_57 : vector<16xi32>
      %add3A_59 = arith.addi %add3A_55, %mul3A_58 : vector<16xi32>
      %shift_right_logical3A_60 = arith.constant 27 : i32
      %shift_right_logical3A_61 = vector.broadcast %shift_right_logical3A_60 : i32 to vector<16xi32>
      %shift_right_logical3A_62 = arith.shrui %add3A_48, %shift_right_logical3A_61 : vector<16xi32>
      %shift_left3A_63 = arith.constant 5 : i32
      %shift_left3A_64 = vector.broadcast %shift_left3A_63 : i32 to vector<16xi32>
      %shift_left3A_65 = arith.shli %add3A_59, %shift_left3A_64 : vector<16xi32>
      %or3A = arith.ori %shift_right_logical3A_62, %shift_left3A_65 : vector<16xi32>
      %shift_right_logical3A_66 = arith.constant 27 : i32
      %shift_right_logical3A_67 = vector.broadcast %shift_right_logical3A_66 : i32 to vector<16xi32>
      %shift_right_logical3A_68 = arith.shrui %add3A_59, %shift_right_logical3A_67 : vector<16xi32>
      %xor3A = arith.xori %add3A_59, %shift_right_logical3A_68 : vector<16xi32>
      %xor3A_69 = arith.xori %add3A_48, %or3A : vector<16xi32>
      %shift_right_logical3A_70 = arith.constant 16 : i32
      %shift_right_logical3A_71 = vector.broadcast %shift_right_logical3A_70 : i32 to vector<16xi32>
      %shift_right_logical3A_72 = arith.shrui %xor3A_69, %shift_right_logical3A_71 : vector<16xi32>
      %and3A_73 = arith.constant 65535 : i32
      %and3A_74 = vector.broadcast %and3A_73 : i32 to vector<16xi32>
      %and3A_75 = arith.andi %xor3A_69, %and3A_74 : vector<16xi32>
      %mul3A_76 = arith.constant 4587 : i32
      %mul3A_77 = vector.broadcast %mul3A_76 : i32 to vector<16xi32>
      %mul3A_78 = arith.muli %and3A_75, %mul3A_77 : vector<16xi32>
      %mul3A_79 = arith.constant 4913 : i32
      %mul3A_80 = vector.broadcast %mul3A_79 : i32 to vector<16xi32>
      %mul3A_81 = arith.muli %and3A_75, %mul3A_80 : vector<16xi32>
      %mul3A_82 = arith.constant 4587 : i32
      %mul3A_83 = vector.broadcast %mul3A_82 : i32 to vector<16xi32>
      %mul3A_84 = arith.muli %shift_right_logical3A_72, %mul3A_83 : vector<16xi32>
      %mul3A_85 = arith.constant 4913 : i32
      %mul3A_86 = vector.broadcast %mul3A_85 : i32 to vector<16xi32>
      %mul3A_87 = arith.muli %shift_right_logical3A_72, %mul3A_86 : vector<16xi32>
      %add3A_88 = arith.addi %mul3A_81, %mul3A_84 : vector<16xi32>
      %shift_left3A_89 = arith.constant 16 : i32
      %shift_left3A_90 = vector.broadcast %shift_left3A_89 : i32 to vector<16xi32>
      %shift_left3A_91 = arith.shli %add3A_88, %shift_left3A_90 : vector<16xi32>
      %add3A_92 = arith.addi %mul3A_78, %shift_left3A_91 : vector<16xi32>
      %lt3A_93 = arith.cmpi ult, %add3A_92, %mul3A_78 : vector<16xi32>
      %jit3A_94 = arith.constant 1 : i32
      %jit3A_95 = arith.constant 0 : i32
      %broadcast_in_dim3A_96 = vector.broadcast %jit3A_94 : i32 to vector<16xi32>
      %broadcast_in_dim3A_97 = vector.broadcast %jit3A_95 : i32 to vector<16xi32>
      %select_n3A_98 = arith.select %lt3A_93, %broadcast_in_dim3A_96, %broadcast_in_dim3A_97 : vector<16xi1>, vector<16xi32>
      %shift_right_logical3A_99 = arith.constant 16 : i32
      %shift_right_logical3A_100 = vector.broadcast %shift_right_logical3A_99 : i32 to vector<16xi32>
      %shift_right_logical3A_101 = arith.shrui %add3A_88, %shift_right_logical3A_100 : vector<16xi32>
      %add3A_102 = arith.addi %mul3A_87, %shift_right_logical3A_101 : vector<16xi32>
      %add3A_103 = arith.addi %add3A_102, %select_n3A_98 : vector<16xi32>
      %mul3A_104 = arith.constant -1798288965 : i32
      %mul3A_105 = vector.broadcast %mul3A_104 : i32 to vector<16xi32>
      %mul3A_106 = arith.muli %xor3A_69, %mul3A_105 : vector<16xi32>
      %add3A_107 = arith.addi %add3A_103, %mul3A_106 : vector<16xi32>
      %mul3A_108 = arith.constant 321982955 : i32
      %mul3A_109 = vector.broadcast %mul3A_108 : i32 to vector<16xi32>
      %mul3A_110 = arith.muli %xor3A, %mul3A_109 : vector<16xi32>
      %add3A_111 = arith.addi %add3A_107, %mul3A_110 : vector<16xi32>
      %shift_right_logical3A_112 = arith.constant 31 : i32
      %shift_right_logical3A_113 = vector.broadcast %shift_right_logical3A_112 : i32 to vector<16xi32>
      %shift_right_logical3A_114 = arith.shrui %add3A_92, %shift_right_logical3A_113 : vector<16xi32>
      %shift_left3A_115 = arith.constant 1 : i32
      %shift_left3A_116 = vector.broadcast %shift_left3A_115 : i32 to vector<16xi32>
      %shift_left3A_117 = arith.shli %add3A_111, %shift_left3A_116 : vector<16xi32>
      %or3A_118 = arith.ori %shift_right_logical3A_114, %shift_left3A_117 : vector<16xi32>
      %shift_right_logical3A_119 = arith.constant 31 : i32
      %shift_right_logical3A_120 = vector.broadcast %shift_right_logical3A_119 : i32 to vector<16xi32>
      %shift_right_logical3A_121 = arith.shrui %add3A_111, %shift_right_logical3A_120 : vector<16xi32>
      %xor3A_122 = arith.xori %add3A_111, %shift_right_logical3A_121 : vector<16xi32>
      %xor3A_123 = arith.xori %add3A_92, %or3A_118 : vector<16xi32>
      %shift_right_logical3A_124 = arith.constant 16 : i32
      %shift_right_logical3A_125 = vector.broadcast %shift_right_logical3A_124 : i32 to vector<16xi32>
      %shift_right_logical3A_126 = arith.shrui %get3A_28, %shift_right_logical3A_125 : vector<16xi32>
      %and3A_127 = arith.constant 65535 : i32
      %and3A_128 = vector.broadcast %and3A_127 : i32 to vector<16xi32>
      %and3A_129 = arith.andi %get3A_28, %and3A_128 : vector<16xi32>
      %mul3A_130 = arith.constant 58809 : i32
      %mul3A_131 = vector.broadcast %mul3A_130 : i32 to vector<16xi32>
      %mul3A_132 = arith.muli %and3A_129, %mul3A_131 : vector<16xi32>
      %mul3A_133 = arith.constant 7396 : i32
      %mul3A_134 = vector.broadcast %mul3A_133 : i32 to vector<16xi32>
      %mul3A_135 = arith.muli %and3A_129, %mul3A_134 : vector<16xi32>
      %mul3A_136 = arith.constant 58809 : i32
      %mul3A_137 = vector.broadcast %mul3A_136 : i32 to vector<16xi32>
      %mul3A_138 = arith.muli %shift_right_logical3A_126, %mul3A_137 : vector<16xi32>
      %mul3A_139 = arith.constant 7396 : i32
      %mul3A_140 = vector.broadcast %mul3A_139 : i32 to vector<16xi32>
      %mul3A_141 = arith.muli %shift_right_logical3A_126, %mul3A_140 : vector<16xi32>
      %add3A_142 = arith.addi %mul3A_135, %mul3A_138 : vector<16xi32>
      %shift_left3A_143 = arith.constant 16 : i32
      %shift_left3A_144 = vector.broadcast %shift_left3A_143 : i32 to vector<16xi32>
      %shift_left3A_145 = arith.shli %add3A_142, %shift_left3A_144 : vector<16xi32>
      %add3A_146 = arith.addi %mul3A_132, %shift_left3A_145 : vector<16xi32>
      %lt3A_147 = arith.cmpi ult, %add3A_146, %mul3A_132 : vector<16xi32>
      %jit3A_148 = arith.constant 1 : i32
      %jit3A_149 = arith.constant 0 : i32
      %broadcast_in_dim3A_150 = vector.broadcast %jit3A_148 : i32 to vector<16xi32>
      %broadcast_in_dim3A_151 = vector.broadcast %jit3A_149 : i32 to vector<16xi32>
      %select_n3A_152 = arith.select %lt3A_147, %broadcast_in_dim3A_150, %broadcast_in_dim3A_151 : vector<16xi1>, vector<16xi32>
      %shift_right_logical3A_153 = arith.constant 16 : i32
      %shift_right_logical3A_154 = vector.broadcast %shift_right_logical3A_153 : i32 to vector<16xi32>
      %shift_right_logical3A_155 = arith.shrui %add3A_142, %shift_right_logical3A_154 : vector<16xi32>
      %add3A_156 = arith.addi %mul3A_141, %shift_right_logical3A_155 : vector<16xi32>
      %add3A_157 = arith.addi %add3A_156, %select_n3A_152 : vector<16xi32>
      %mul3A_158 = arith.constant -1084733587 : i32
      %mul3A_159 = vector.broadcast %mul3A_158 : i32 to vector<16xi32>
      %mul3A_160 = arith.muli %get3A_28, %mul3A_159 : vector<16xi32>
      %add3A_161 = arith.addi %add3A_157, %mul3A_160 : vector<16xi32>
      %shift_right_logical3A_162 = arith.constant 27 : i32
      %shift_right_logical3A_163 = vector.broadcast %shift_right_logical3A_162 : i32 to vector<16xi32>
      %shift_right_logical3A_164 = arith.shrui %add3A_146, %shift_right_logical3A_163 : vector<16xi32>
      %shift_left3A_165 = arith.constant 5 : i32
      %shift_left3A_166 = vector.broadcast %shift_left3A_165 : i32 to vector<16xi32>
      %shift_left3A_167 = arith.shli %add3A_161, %shift_left3A_166 : vector<16xi32>
      %or3A_168 = arith.ori %shift_right_logical3A_164, %shift_left3A_167 : vector<16xi32>
      %shift_right_logical3A_169 = arith.constant 27 : i32
      %shift_right_logical3A_170 = vector.broadcast %shift_right_logical3A_169 : i32 to vector<16xi32>
      %shift_right_logical3A_171 = arith.shrui %add3A_161, %shift_right_logical3A_170 : vector<16xi32>
      %xor3A_172 = arith.xori %add3A_161, %shift_right_logical3A_171 : vector<16xi32>
      %xor3A_173 = arith.xori %add3A_146, %or3A_168 : vector<16xi32>
      %shift_right_logical3A_174 = arith.constant 16 : i32
      %shift_right_logical3A_175 = vector.broadcast %shift_right_logical3A_174 : i32 to vector<16xi32>
      %shift_right_logical3A_176 = arith.shrui %xor3A_173, %shift_right_logical3A_175 : vector<16xi32>
      %and3A_177 = arith.constant 65535 : i32
      %and3A_178 = vector.broadcast %and3A_177 : i32 to vector<16xi32>
      %and3A_179 = arith.andi %xor3A_173, %and3A_178 : vector<16xi32>
      %mul3A_180 = arith.constant 4587 : i32
      %mul3A_181 = vector.broadcast %mul3A_180 : i32 to vector<16xi32>
      %mul3A_182 = arith.muli %and3A_179, %mul3A_181 : vector<16xi32>
      %mul3A_183 = arith.constant 4913 : i32
      %mul3A_184 = vector.broadcast %mul3A_183 : i32 to vector<16xi32>
      %mul3A_185 = arith.muli %and3A_179, %mul3A_184 : vector<16xi32>
      %mul3A_186 = arith.constant 4587 : i32
      %mul3A_187 = vector.broadcast %mul3A_186 : i32 to vector<16xi32>
      %mul3A_188 = arith.muli %shift_right_logical3A_176, %mul3A_187 : vector<16xi32>
      %mul3A_189 = arith.constant 4913 : i32
      %mul3A_190 = vector.broadcast %mul3A_189 : i32 to vector<16xi32>
      %mul3A_191 = arith.muli %shift_right_logical3A_176, %mul3A_190 : vector<16xi32>
      %add3A_192 = arith.addi %mul3A_185, %mul3A_188 : vector<16xi32>
      %shift_left3A_193 = arith.constant 16 : i32
      %shift_left3A_194 = vector.broadcast %shift_left3A_193 : i32 to vector<16xi32>
      %shift_left3A_195 = arith.shli %add3A_192, %shift_left3A_194 : vector<16xi32>
      %add3A_196 = arith.addi %mul3A_182, %shift_left3A_195 : vector<16xi32>
      %lt3A_197 = arith.cmpi ult, %add3A_196, %mul3A_182 : vector<16xi32>
      %jit3A_198 = arith.constant 1 : i32
      %jit3A_199 = arith.constant 0 : i32
      %broadcast_in_dim3A_200 = vector.broadcast %jit3A_198 : i32 to vector<16xi32>
      %broadcast_in_dim3A_201 = vector.broadcast %jit3A_199 : i32 to vector<16xi32>
      %select_n3A_202 = arith.select %lt3A_197, %broadcast_in_dim3A_200, %broadcast_in_dim3A_201 : vector<16xi1>, vector<16xi32>
      %shift_right_logical3A_203 = arith.constant 16 : i32
      %shift_right_logical3A_204 = vector.broadcast %shift_right_logical3A_203 : i32 to vector<16xi32>
      %shift_right_logical3A_205 = arith.shrui %add3A_192, %shift_right_logical3A_204 : vector<16xi32>
      %add3A_206 = arith.addi %mul3A_191, %shift_right_logical3A_205 : vector<16xi32>
      %add3A_207 = arith.addi %add3A_206, %select_n3A_202 : vector<16xi32>
      %mul3A_208 = arith.constant -1798288965 : i32
      %mul3A_209 = vector.broadcast %mul3A_208 : i32 to vector<16xi32>
      %mul3A_210 = arith.muli %xor3A_173, %mul3A_209 : vector<16xi32>
      %add3A_211 = arith.addi %add3A_207, %mul3A_210 : vector<16xi32>
      %mul3A_212 = arith.constant 321982955 : i32
      %mul3A_213 = vector.broadcast %mul3A_212 : i32 to vector<16xi32>
      %mul3A_214 = arith.muli %xor3A_172, %mul3A_213 : vector<16xi32>
      %add3A_215 = arith.addi %add3A_211, %mul3A_214 : vector<16xi32>
      %shift_right_logical3A_216 = arith.constant 31 : i32
      %shift_right_logical3A_217 = vector.broadcast %shift_right_logical3A_216 : i32 to vector<16xi32>
      %shift_right_logical3A_218 = arith.shrui %add3A_196, %shift_right_logical3A_217 : vector<16xi32>
      %shift_left3A_219 = arith.constant 1 : i32
      %shift_left3A_220 = vector.broadcast %shift_left3A_219 : i32 to vector<16xi32>
      %shift_left3A_221 = arith.shli %add3A_215, %shift_left3A_220 : vector<16xi32>
      %or3A_222 = arith.ori %shift_right_logical3A_218, %shift_left3A_221 : vector<16xi32>
      %shift_right_logical3A_223 = arith.constant 31 : i32
      %shift_right_logical3A_224 = vector.broadcast %shift_right_logical3A_223 : i32 to vector<16xi32>
      %shift_right_logical3A_225 = arith.shrui %add3A_215, %shift_right_logical3A_224 : vector<16xi32>
      %xor3A_226 = arith.xori %add3A_215, %shift_right_logical3A_225 : vector<16xi32>
      %xor3A_227 = arith.xori %add3A_196, %or3A_222 : vector<16xi32>
      %shift_right_logical3A_228 = arith.constant 16 : i32
      %shift_right_logical3A_229 = vector.broadcast %shift_right_logical3A_228 : i32 to vector<16xi32>
      %shift_right_logical3A_230 = arith.shrui %xor3A_227, %shift_right_logical3A_229 : vector<16xi32>
      %and3A_231 = arith.constant 65535 : i32
      %and3A_232 = vector.broadcast %and3A_231 : i32 to vector<16xi32>
      %and3A_233 = arith.andi %xor3A_227, %and3A_232 : vector<16xi32>
      %mul3A_234 = arith.constant 59797 : i32
      %mul3A_235 = vector.broadcast %mul3A_234 : i32 to vector<16xi32>
      %mul3A_236 = arith.muli %and3A_233, %mul3A_235 : vector<16xi32>
      %mul3A_237 = arith.constant 23505 : i32
      %mul3A_238 = vector.broadcast %mul3A_237 : i32 to vector<16xi32>
      %mul3A_239 = arith.muli %and3A_233, %mul3A_238 : vector<16xi32>
      %mul3A_240 = arith.constant 59797 : i32
      %mul3A_241 = vector.broadcast %mul3A_240 : i32 to vector<16xi32>
      %mul3A_242 = arith.muli %shift_right_logical3A_230, %mul3A_241 : vector<16xi32>
      %mul3A_243 = arith.constant 23505 : i32
      %mul3A_244 = vector.broadcast %mul3A_243 : i32 to vector<16xi32>
      %mul3A_245 = arith.muli %shift_right_logical3A_230, %mul3A_244 : vector<16xi32>
      %add3A_246 = arith.addi %mul3A_239, %mul3A_242 : vector<16xi32>
      %shift_left3A_247 = arith.constant 16 : i32
      %shift_left3A_248 = vector.broadcast %shift_left3A_247 : i32 to vector<16xi32>
      %shift_left3A_249 = arith.shli %add3A_246, %shift_left3A_248 : vector<16xi32>
      %add3A_250 = arith.addi %mul3A_236, %shift_left3A_249 : vector<16xi32>
      %lt3A_251 = arith.cmpi ult, %add3A_250, %mul3A_236 : vector<16xi32>
      %jit3A_252 = arith.constant 1 : i32
      %jit3A_253 = arith.constant 0 : i32
      %broadcast_in_dim3A_254 = vector.broadcast %jit3A_252 : i32 to vector<16xi32>
      %broadcast_in_dim3A_255 = vector.broadcast %jit3A_253 : i32 to vector<16xi32>
      %select_n3A_256 = arith.select %lt3A_251, %broadcast_in_dim3A_254, %broadcast_in_dim3A_255 : vector<16xi1>, vector<16xi32>
      %shift_right_logical3A_257 = arith.constant 16 : i32
      %shift_right_logical3A_258 = vector.broadcast %shift_right_logical3A_257 : i32 to vector<16xi32>
      %shift_right_logical3A_259 = arith.shrui %add3A_246, %shift_right_logical3A_258 : vector<16xi32>
      %add3A_260 = arith.addi %mul3A_245, %shift_right_logical3A_259 : vector<16xi32>
      %add3A_261 = arith.addi %add3A_260, %select_n3A_256 : vector<16xi32>
      %lt3A_262 = arith.cmpi ult, %add3A_246, %mul3A_239 : vector<16xi32>
      %jit3A_263 = arith.constant 1 : i32
      %jit3A_264 = arith.constant 0 : i32
      %broadcast_in_dim3A_265 = vector.broadcast %jit3A_263 : i32 to vector<16xi32>
      %broadcast_in_dim3A_266 = vector.broadcast %jit3A_264 : i32 to vector<16xi32>
      %select_n3A_267 = arith.select %lt3A_262, %broadcast_in_dim3A_265, %broadcast_in_dim3A_266 : vector<16xi1>, vector<16xi32>
      %shift_left3A_268 = arith.constant 16 : i32
      %shift_left3A_269 = vector.broadcast %shift_left3A_268 : i32 to vector<16xi32>
      %shift_left3A_270 = arith.shli %select_n3A_267, %shift_left3A_269 : vector<16xi32>
      %add3A_271 = arith.addi %add3A_261, %shift_left3A_270 : vector<16xi32>
      %mul3A_272 = arith.constant -962287725 : i32
      %mul3A_273 = vector.broadcast %mul3A_272 : i32 to vector<16xi32>
      %mul3A_274 = arith.muli %xor3A_227, %mul3A_273 : vector<16xi32>
      %add3A_275 = arith.addi %add3A_271, %mul3A_274 : vector<16xi32>
      %mul3A_276 = arith.constant 1540483477 : i32
      %mul3A_277 = vector.broadcast %mul3A_276 : i32 to vector<16xi32>
      %mul3A_278 = arith.muli %xor3A_226, %mul3A_277 : vector<16xi32>
      %add3A_279 = arith.addi %add3A_275, %mul3A_278 : vector<16xi32>
      %shift_right_logical3A_280 = arith.constant 15 : i32
      %shift_right_logical3A_281 = vector.broadcast %shift_right_logical3A_280 : i32 to vector<16xi32>
      %shift_right_logical3A_282 = arith.shrui %add3A_279, %shift_right_logical3A_281 : vector<16xi32>
      %xor3A_283 = arith.xori %add3A_250, %shift_right_logical3A_282 : vector<16xi32>
      %xor3A_284 = arith.xori %add3A_279, %xor3A_122 : vector<16xi32>
      %xor3A_285 = arith.xori %xor3A_283, %xor3A_123 : vector<16xi32>
      %shift_right_logical3A_286 = arith.constant 16 : i32
      %shift_right_logical3A_287 = vector.broadcast %shift_right_logical3A_286 : i32 to vector<16xi32>
      %shift_right_logical3A_288 = arith.shrui %xor3A_285, %shift_right_logical3A_287 : vector<16xi32>
      %and3A_289 = arith.constant 65535 : i32
      %and3A_290 = vector.broadcast %and3A_289 : i32 to vector<16xi32>
      %and3A_291 = arith.andi %xor3A_285, %and3A_290 : vector<16xi32>
      %mul3A_292 = arith.constant 59797 : i32
      %mul3A_293 = vector.broadcast %mul3A_292 : i32 to vector<16xi32>
      %mul3A_294 = arith.muli %and3A_291, %mul3A_293 : vector<16xi32>
      %mul3A_295 = arith.constant 23505 : i32
      %mul3A_296 = vector.broadcast %mul3A_295 : i32 to vector<16xi32>
      %mul3A_297 = arith.muli %and3A_291, %mul3A_296 : vector<16xi32>
      %mul3A_298 = arith.constant 59797 : i32
      %mul3A_299 = vector.broadcast %mul3A_298 : i32 to vector<16xi32>
      %mul3A_300 = arith.muli %shift_right_logical3A_288, %mul3A_299 : vector<16xi32>
      %mul3A_301 = arith.constant 23505 : i32
      %mul3A_302 = vector.broadcast %mul3A_301 : i32 to vector<16xi32>
      %mul3A_303 = arith.muli %shift_right_logical3A_288, %mul3A_302 : vector<16xi32>
      %add3A_304 = arith.addi %mul3A_297, %mul3A_300 : vector<16xi32>
      %shift_left3A_305 = arith.constant 16 : i32
      %shift_left3A_306 = vector.broadcast %shift_left3A_305 : i32 to vector<16xi32>
      %shift_left3A_307 = arith.shli %add3A_304, %shift_left3A_306 : vector<16xi32>
      %add3A_308 = arith.addi %mul3A_294, %shift_left3A_307 : vector<16xi32>
      %lt3A_309 = arith.cmpi ult, %add3A_308, %mul3A_294 : vector<16xi32>
      %jit3A_310 = arith.constant 1 : i32
      %jit3A_311 = arith.constant 0 : i32
      %broadcast_in_dim3A_312 = vector.broadcast %jit3A_310 : i32 to vector<16xi32>
      %broadcast_in_dim3A_313 = vector.broadcast %jit3A_311 : i32 to vector<16xi32>
      %select_n3A_314 = arith.select %lt3A_309, %broadcast_in_dim3A_312, %broadcast_in_dim3A_313 : vector<16xi1>, vector<16xi32>
      %shift_right_logical3A_315 = arith.constant 16 : i32
      %shift_right_logical3A_316 = vector.broadcast %shift_right_logical3A_315 : i32 to vector<16xi32>
      %shift_right_logical3A_317 = arith.shrui %add3A_304, %shift_right_logical3A_316 : vector<16xi32>
      %add3A_318 = arith.addi %mul3A_303, %shift_right_logical3A_317 : vector<16xi32>
      %add3A_319 = arith.addi %add3A_318, %select_n3A_314 : vector<16xi32>
      %lt3A_320 = arith.cmpi ult, %add3A_304, %mul3A_297 : vector<16xi32>
      %jit3A_321 = arith.constant 1 : i32
      %jit3A_322 = arith.constant 0 : i32
      %broadcast_in_dim3A_323 = vector.broadcast %jit3A_321 : i32 to vector<16xi32>
      %broadcast_in_dim3A_324 = vector.broadcast %jit3A_322 : i32 to vector<16xi32>
      %select_n3A_325 = arith.select %lt3A_320, %broadcast_in_dim3A_323, %broadcast_in_dim3A_324 : vector<16xi1>, vector<16xi32>
      %shift_left3A_326 = arith.constant 16 : i32
      %shift_left3A_327 = vector.broadcast %shift_left3A_326 : i32 to vector<16xi32>
      %shift_left3A_328 = arith.shli %select_n3A_325, %shift_left3A_327 : vector<16xi32>
      %add3A_329 = arith.addi %add3A_319, %shift_left3A_328 : vector<16xi32>
      %mul3A_330 = arith.constant -962287725 : i32
      %mul3A_331 = vector.broadcast %mul3A_330 : i32 to vector<16xi32>
      %mul3A_332 = arith.muli %xor3A_285, %mul3A_331 : vector<16xi32>
      %add3A_333 = arith.addi %add3A_329, %mul3A_332 : vector<16xi32>
      %mul3A_334 = arith.constant 1540483477 : i32
      %mul3A_335 = vector.broadcast %mul3A_334 : i32 to vector<16xi32>
      %mul3A_336 = arith.muli %xor3A_284, %mul3A_335 : vector<16xi32>
      %add3A_337 = arith.addi %add3A_333, %mul3A_336 : vector<16xi32>
      %shift_right_logical3A_338 = arith.constant 15 : i32
      %shift_right_logical3A_339 = vector.broadcast %shift_right_logical3A_338 : i32 to vector<16xi32>
      %shift_right_logical3A_340 = arith.shrui %add3A_337, %shift_right_logical3A_339 : vector<16xi32>
      %xor3A_341 = arith.xori %add3A_308, %shift_right_logical3A_340 : vector<16xi32>
      %shift_right_logical3A_342 = arith.constant 16 : i32
      %shift_right_logical3A_343 = vector.broadcast %shift_right_logical3A_342 : i32 to vector<16xi32>
      %shift_right_logical3A_344 = arith.shrui %xor3A_341, %shift_right_logical3A_343 : vector<16xi32>
      %and3A_345 = arith.constant 65535 : i32
      %and3A_346 = vector.broadcast %and3A_345 : i32 to vector<16xi32>
      %and3A_347 = arith.andi %xor3A_341, %and3A_346 : vector<16xi32>
      %mul3A_348 = arith.constant 59797 : i32
      %mul3A_349 = vector.broadcast %mul3A_348 : i32 to vector<16xi32>
      %mul3A_350 = arith.muli %and3A_347, %mul3A_349 : vector<16xi32>
      %mul3A_351 = arith.constant 23505 : i32
      %mul3A_352 = vector.broadcast %mul3A_351 : i32 to vector<16xi32>
      %mul3A_353 = arith.muli %and3A_347, %mul3A_352 : vector<16xi32>
      %mul3A_354 = arith.constant 59797 : i32
      %mul3A_355 = vector.broadcast %mul3A_354 : i32 to vector<16xi32>
      %mul3A_356 = arith.muli %shift_right_logical3A_344, %mul3A_355 : vector<16xi32>
      %mul3A_357 = arith.constant 23505 : i32
      %mul3A_358 = vector.broadcast %mul3A_357 : i32 to vector<16xi32>
      %mul3A_359 = arith.muli %shift_right_logical3A_344, %mul3A_358 : vector<16xi32>
      %add3A_360 = arith.addi %mul3A_353, %mul3A_356 : vector<16xi32>
      %shift_left3A_361 = arith.constant 16 : i32
      %shift_left3A_362 = vector.broadcast %shift_left3A_361 : i32 to vector<16xi32>
      %shift_left3A_363 = arith.shli %add3A_360, %shift_left3A_362 : vector<16xi32>
      %add3A_364 = arith.addi %mul3A_350, %shift_left3A_363 : vector<16xi32>
      %lt3A_365 = arith.cmpi ult, %add3A_364, %mul3A_350 : vector<16xi32>
      %jit3A_366 = arith.constant 1 : i32
      %jit3A_367 = arith.constant 0 : i32
      %broadcast_in_dim3A_368 = vector.broadcast %jit3A_366 : i32 to vector<16xi32>
      %broadcast_in_dim3A_369 = vector.broadcast %jit3A_367 : i32 to vector<16xi32>
      %select_n3A_370 = arith.select %lt3A_365, %broadcast_in_dim3A_368, %broadcast_in_dim3A_369 : vector<16xi1>, vector<16xi32>
      %shift_right_logical3A_371 = arith.constant 16 : i32
      %shift_right_logical3A_372 = vector.broadcast %shift_right_logical3A_371 : i32 to vector<16xi32>
      %shift_right_logical3A_373 = arith.shrui %add3A_360, %shift_right_logical3A_372 : vector<16xi32>
      %add3A_374 = arith.addi %mul3A_359, %shift_right_logical3A_373 : vector<16xi32>
      %add3A_375 = arith.addi %add3A_374, %select_n3A_370 : vector<16xi32>
      %lt3A_376 = arith.cmpi ult, %add3A_360, %mul3A_353 : vector<16xi32>
      %jit3A_377 = arith.constant 1 : i32
      %jit3A_378 = arith.constant 0 : i32
      %broadcast_in_dim3A_379 = vector.broadcast %jit3A_377 : i32 to vector<16xi32>
      %broadcast_in_dim3A_380 = vector.broadcast %jit3A_378 : i32 to vector<16xi32>
      %select_n3A_381 = arith.select %lt3A_376, %broadcast_in_dim3A_379, %broadcast_in_dim3A_380 : vector<16xi1>, vector<16xi32>
      %shift_left3A_382 = arith.constant 16 : i32
      %shift_left3A_383 = vector.broadcast %shift_left3A_382 : i32 to vector<16xi32>
      %shift_left3A_384 = arith.shli %select_n3A_381, %shift_left3A_383 : vector<16xi32>
      %add3A_385 = arith.addi %add3A_375, %shift_left3A_384 : vector<16xi32>
      %mul3A_386 = arith.constant -962287725 : i32
      %mul3A_387 = vector.broadcast %mul3A_386 : i32 to vector<16xi32>
      %mul3A_388 = arith.muli %xor3A_341, %mul3A_387 : vector<16xi32>
      %add3A_389 = arith.addi %add3A_385, %mul3A_388 : vector<16xi32>
      %mul3A_390 = arith.constant 1540483477 : i32
      %mul3A_391 = vector.broadcast %mul3A_390 : i32 to vector<16xi32>
      %mul3A_392 = arith.muli %add3A_337, %mul3A_391 : vector<16xi32>
      %add3A_393 = arith.addi %add3A_389, %mul3A_392 : vector<16xi32>
      %and3A_394 = arith.constant 65535 : i32
      %and3A_395 = vector.broadcast %and3A_394 : i32 to vector<16xi32>
      %and3A_396 = arith.andi %add3A_364, %and3A_395 : vector<16xi32>
      %shift_right_logical3A_397 = arith.constant 16 : i32
      %shift_right_logical3A_398 = vector.broadcast %shift_right_logical3A_397 : i32 to vector<16xi32>
      %shift_right_logical3A_399 = arith.shrui %add3A_364, %shift_right_logical3A_398 : vector<16xi32>
      %and3A_400 = arith.constant 65535 : i32
      %and3A_401 = vector.broadcast %and3A_400 : i32 to vector<16xi32>
      %and3A_402 = arith.andi %add3A_393, %and3A_401 : vector<16xi32>
      %shift_right_logical3A_403 = arith.constant 16 : i32
      %shift_right_logical3A_404 = vector.broadcast %shift_right_logical3A_403 : i32 to vector<16xi32>
      %shift_right_logical3A_405 = arith.shrui %add3A_393, %shift_right_logical3A_404 : vector<16xi32>
      %mul3A_406 = arith.constant 3036 : i32
      %mul3A_407 = vector.broadcast %mul3A_406 : i32 to vector<16xi32>
      %mul3A_408 = arith.muli %shift_right_logical3A_399, %mul3A_407 : vector<16xi32>
      %add3A_409 = arith.addi %and3A_396, %mul3A_408 : vector<16xi32>
      %mul3A_410 = arith.constant 14171 : i32
      %mul3A_411 = vector.broadcast %mul3A_410 : i32 to vector<16xi32>
      %mul3A_412 = arith.muli %and3A_402, %mul3A_411 : vector<16xi32>
      %add3A_413 = arith.addi %add3A_409, %mul3A_412 : vector<16xi32>
      %mul3A_414 = arith.constant 7531 : i32
      %mul3A_415 = vector.broadcast %mul3A_414 : i32 to vector<16xi32>
      %mul3A_416 = arith.muli %shift_right_logical3A_405, %mul3A_415 : vector<16xi32>
      %add3A_417 = arith.addi %add3A_413, %mul3A_416 : vector<16xi32>
      %convert_element_type3A = arith.sitofp %add3A_417 : vector<16xi32> to vector<16xf32>
      %mul3A_418 = arith.constant 6.400000e-05 : f32
      %mul3A_419 = vector.broadcast %mul3A_418 : f32 to vector<16xf32>
      %mul3A_420 = arith.mulf %convert_element_type3A, %mul3A_419 : vector<16xf32>
      %convert_element_type3A_421 = arith.fptosi %mul3A_420 : vector<16xf32> to vector<16xi32>
      %mul3A_422 = arith.constant 15625 : i32
      %mul3A_423 = vector.broadcast %mul3A_422 : i32 to vector<16xi32>
      %mul3A_424 = arith.muli %convert_element_type3A_421, %mul3A_423 : vector<16xi32>
      %sub3A = arith.subi %add3A_417, %mul3A_424 : vector<16xi32>
      %lt3A_425 = arith.constant 0 : i32
      %lt3A_426 = vector.broadcast %lt3A_425 : i32 to vector<16xi32>
      %lt3A_427 = arith.cmpi slt, %sub3A, %lt3A_426 : vector<16xi32>
      %add3A_428 = arith.constant 15625 : i32
      %add3A_429 = vector.broadcast %add3A_428 : i32 to vector<16xi32>
      %add3A_430 = arith.addi %sub3A, %add3A_429 : vector<16xi32>
      %select_n3A_431 = arith.select %lt3A_427, %add3A_430, %sub3A : vector<16xi1>, vector<16xi32>
      %ge3A = arith.constant 15625 : i32
      %ge3A_432 = vector.broadcast %ge3A : i32 to vector<16xi32>
      %ge3A_433 = arith.cmpi sge, %select_n3A_431, %ge3A_432 : vector<16xi32>
      %sub3A_434 = arith.constant 15625 : i32
      %sub3A_435 = vector.broadcast %sub3A_434 : i32 to vector<16xi32>
      %sub3A_436 = arith.subi %select_n3A_431, %sub3A_435 : vector<16xi32>
      %select_n3A_437 = arith.select %ge3A_433, %sub3A_436, %select_n3A_431 : vector<16xi1>, vector<16xi32>
      %and3A_438 = arith.constant 63 : i32
      %and3A_439 = vector.broadcast %and3A_438 : i32 to vector<16xi32>
      %and3A_440 = arith.andi %add3A_364, %and3A_439 : vector<16xi32>
      %sub3A_441 = arith.subi %and3A_440, %select_n3A_437 : vector<16xi32>
      %and3A_442 = arith.constant 63 : i32
      %and3A_443 = vector.broadcast %and3A_442 : i32 to vector<16xi32>
      %and3A_444 = arith.andi %sub3A_441, %and3A_443 : vector<16xi32>
      %mul3A_445 = arith.constant 57 : i32
      %mul3A_446 = vector.broadcast %mul3A_445 : i32 to vector<16xi32>
      %mul3A_447 = arith.muli %and3A_444, %mul3A_446 : vector<16xi32>
      %and3A_448 = arith.constant 63 : i32
      %and3A_449 = vector.broadcast %and3A_448 : i32 to vector<16xi32>
      %and3A_450 = arith.andi %mul3A_447, %and3A_449 : vector<16xi32>
      %mul3A_451 = arith.constant 15625 : i32
      %mul3A_452 = vector.broadcast %mul3A_451 : i32 to vector<16xi32>
      %mul3A_453 = arith.muli %mul3A_452, %and3A_450 : vector<16xi32>
      %add3A_454 = arith.addi %select_n3A_437, %mul3A_453 : vector<16xi32>
      %swap3A = arith.index_cast %mul3A_23 : i32 to index
      %swap3A_455 = tpu.vector_load %arg6[%swap3A] {strides = array<i32>} : memref<512xi32, #tpu.memory_space<vmem>>, vector<16xi32>,
      %swap3A_456 = vector.shape_cast %swap3A_455 : vector<16xi32> to vector<16xi32>
      %swap3A_457 = vector.shape_cast %add3A_454 : vector<16xi32> to vector<16xi32>
      tpu.vector_store %arg6[%swap3A], %swap3A_457 {strides = array<i32>} : memref<512xi32, #tpu.memory_space<vmem>>, vector<16xi32>,
    }
    "tpu.region"() ({
      %run_scoped3A = tpu.sem_alloc : memref<!tpu.dma_semaphore, #tpu.memory_space<semaphore_mem>>
      %dma_start3A_21 = tpu.memref_slice %arg3[%mul3A_2] : memref<16384xi32, #tpu.memory_space<hbm>> -> memref<512xi32, #tpu.memory_space<hbm>>
      %dma_start3A_22 = tpu.memref_slice %arg3[%mul3A_2] : memref<16384xi32, #tpu.memory_space<hbm>> -> memref<512xi32, #tpu.memory_space<hbm>>
      tpu.enqueue_dma source(%arg6 : memref<512xi32, #tpu.memory_space<vmem>>) target(%dma_start3A_22 : memref<512xi32, #tpu.memory_space<hbm>>) target_semaphore(%run_scoped3A : memref<!tpu.dma_semaphore, #tpu.memory_space<semaphore_mem>>)
      %dma_wait3A_23 = tpu.memref_slice %arg3[%mul3A_2] : memref<16384xi32, #tpu.memory_space<hbm>> -> memref<512xi32, #tpu.memory_space<hbm>>
      %dma_wait3A_24 = tpu.memref_slice %arg3[%mul3A_2] : memref<16384xi32, #tpu.memory_space<hbm>> -> memref<512xi32, #tpu.memory_space<hbm>>
      tpu.wait_dma2 semaphore(%run_scoped3A : memref<!tpu.dma_semaphore, #tpu.memory_space<semaphore_mem>>) src(%arg6 : memref<512xi32, #tpu.memory_space<vmem>>) dst(%dma_wait3A_24 : memref<512xi32, #tpu.memory_space<hbm>>)
      tpu.yield
    }) : () -> ()
    return
  }
}

</mosaic_0001>

<sc_bundles>
// kernel: kernel.3.cloned.1.call-start
scs
__scs_entry_jumppad:
0x0: {  	(pc) =	sbr.rel $0x88, $3  }
0x1: {  	(tag) =	ssettag $0x0;
	lr =	simm.s32 $0x1  }
0x2: {  	[smem:$0x3F9F] =	sst lr;
	_ =	strace $0xD0000000  }
0x3: {  	_ = 	snop  }
0x4: {  	_ = 	snop  }
0x5: {  	_ = 	snop  }
0x6: {  	_ = 	snop  }
0x7: {  	_ = 	snop  }
__scs_overlays_trampoline_lowered:
0x8: {  	[smem:$0x3FAE] =	sst s0  }
0x9: {  	[smem:$0x3FAF] =	sst s1  }
0xa: {  	[smem:$0x3FB0] =	sst s2  }
0xb: {  	[smem:$0x3FB1] =	sst s3  }
0xc: {  	[smem:$0x3FB2] =	sst s4  }
0xd: {  	[smem:$0x3FB3] =	sst s5  }
0xe: {  	[smem:$0x3FB4] =	sst s6  }
0xf: {  	[smem:$0x3FB5] =	sst s7  }
0x10: {  	[smem:$0x3FB6] =	sst s8  }
0x11: {  	[smem:$0x3FB7] =	sst s9;
	s0 =	simm.s32 @!p0 $0x0  }
0x12: {  	s1 =	sld [smem:$0x3F9D];
	s0 =	simm.s32 @p0 $0x1  }
0x13: {  	[smem:$0x3FB8] =	sst s0;
	s0 =	simm.s32 @!p1 $0x0  }
0x14: {  	s2 =	sld [smem:$0x3F9C];
	s0 =	simm.s32 @p1 $0x1  }
0x15: {  	[smem:$0x3FB9] =	sst s0;
	s0 =	simm.s32 @!p2 $0x0  }
0x16: {  	s3 =	sld [smem:$0x3FDB];
	s0 =	simm.s32 @p2 $0x1  }
0x17: {  	s4 =	simm.s32 $0x1BF5;
	[smem:$0x3FBB] =	sst s0  }
0x18: {  	s0 =	sld [smem:$0x3F9E];
	_ =	swait.ge [sflag:s4], $0x0  }
0x19: {  	s7 =	sld [smem:$0x3F9F]  }
0x1a: {  	s8 =	sadd.s32 $0xFFFFE003, lr  }
0x1b: {  	s9 =	sadd.s32 $0xFFFFFEF7, lr;
	s5 =	simm.s32 $0xFFFFFFFF;
	p2 =	slt.u32 s8, $0xFFFFF086  }
0x1c: {  	p1 =	slt.u32 s9, $0xF7A;
	s5 =	simm.s32 @!p2 $0x0  }
0x1d: {  	s5 =	simm.s32 @p1 $0x1;
	p0 =	seq.s32 s7, s2  }
0x1e: {  	s7 =	smul.u32 @!p0 $0xF7A, s2;
	p2 =	seq.s32 @!p0 s5, $0x0  }
0x1f: {  	s9 =	smul.u32 $0xF7A, s1;
	s8 =	simm.s32 @!p0 $0x1BF5;
	p2 =	por !p2, p0  }
0x20: {  	[sflag:s8] =	ssyncset.s32 @!p0 $0xFFFFF086;
	s6 =	sadd.s32 @!p0 s3, s7;
	s7 =	simm.s32 @!p0 $0x108  }
0x21: {  	s3 =	sadd.s32 s3, s9;
	s6 =	sadd.s32 @!p0 $0x88, s6;
	s7 =	simm.s32 @p2 $0x1082  }
0x22: {  	[simem:s7], [sflag:s8] =	dma.local @!p0 [hbm:s6], $0xF7A  }
0x23: {  	s9 =	sor.u32 $0xD0000000, s2;
	s6 =	simm.s32 $0x108;
	_ =	swait.ge @!p0 [sflag:s8], $0x0  }
0x24: {  	s3 =	sadd.s32 $0x88, s3;
	s6 =	simm.s32 @!p1 $0x1082;
	[sflag:s4] =	ssyncset.s32 $0xFFFFF086  }
0x25: {  	[simem:s6], [sflag:s4] =	dma.local [hbm:s3], $0xF7A  }
0x26: {  	[smem:$0x3F9F] =	sst s1;
	(tag) =	ssettag s2;
	_ =	strace s9  }
0x27: {  	s1 =	sld [smem:$0x3FAF]  }
0x28: {  	s2 =	sld [smem:$0x3FB0]  }
0x29: {  	s4 =	sld [smem:$0x3FB2]  }
0x2a: {  	p0 =	seq.s32 s5, $0x0;
	s5 =	sld [smem:$0x3FB3]  }
0x2b: {  	s6 =	sld [smem:$0x3FB4]  }
0x2c: {  	s7 =	sld [smem:$0x3FB5]  }
0x2d: {  	s3 =	simm.s32 $0x108;
	s8 =	sld [smem:$0x3FB6]  }
0x2e: {  	s3 =	simm.s32 @!p0 $0x1082;
	s9 =	sld [smem:$0x3FB7]  }
0x2f: {  	lr =	sadd.s32 s0, s3;
	s0 =	sld [smem:$0x3FAE]  }
0x30: {  	s3 =	sld [smem:$0x3FB1]  }
0x31: {  	[smem:$0x3FBA] =	sst s10  }
0x32: {  	s10 =	sld [smem:$0x3FB8];
	_ =	sdelay $0x3  }
0x33: {  	p0 =	seq.s32 s10, $0x1;
	s10 =	sld [smem:$0x3FBA];
	_ =	sdelay $0x3  }
0x34: {  	[smem:$0x3FBA] =	sst s10  }
0x35: {  	s10 =	sld [smem:$0x3FB9];
	_ =	sdelay $0x3  }
0x36: {  	p1 =	seq.s32 s10, $0x1;
	s10 =	sld [smem:$0x3FBA];
	_ =	sdelay $0x3  }
0x37: {  	[smem:$0x3FBA] =	sst s10  }
0x38: {  	s10 =	sld [smem:$0x3FBB]  }
0x39: {  	_ = 	snop;
	(pc) =	sbr.ind lr, $3  }
0x3a: {  	_ = 	snop  }
0x3b: {  	_ = 	snop  }
0x3c: {  	p2 =	seq.s32 s10, $0x1;
	s10 =	sld [smem:$0x3FBA]  }
0x3d: {  	_ =	shalt  }
0x3e: {  	_ =	shalt  }
0x3f: {  	_ =	shalt  }
0x40: {  	_ =	shalt  }
0x41: {  	_ =	shalt  }
0x42: {  	_ =	shalt  }
0x43: {  	_ =	shalt  }
0x44: {  	_ =	shalt  }
0x45: {  	_ =	shalt  }
0x46: {  	_ =	shalt  }
0x47: {  	_ =	shalt  }
0x48: {  	_ =	shalt  }
0x49: {  	_ =	shalt  }
0x4a: {  	_ =	shalt  }
0x4b: {  	_ =	shalt  }
0x4c: {  	_ =	shalt  }
0x4d: {  	_ =	shalt  }
0x4e: {  	_ =	shalt  }
0x4f: {  	_ =	shalt  }
0x50: {  	_ =	shalt  }
0x51: {  	_ =	shalt  }
0x52: {  	_ =	shalt  }
0x53: {  	_ =	shalt  }
0x54: {  	_ =	shalt  }
0x55: {  	_ =	shalt  }
0x56: {  	_ =	shalt  }
0x57: {  	_ =	shalt  }
0x58: {  	_ =	shalt  }
0x59: {  	_ =	shalt  }
0x5a: {  	_ =	shalt  }
0x5b: {  	_ =	shalt  }
0x5c: {  	_ =	shalt  }
0x5d: {  	_ =	shalt  }
0x5e: {  	_ =	shalt  }
0x5f: {  	_ =	shalt  }
0x60: {  	_ =	shalt  }
0x61: {  	_ =	shalt  }
0x62: {  	_ =	shalt  }
0x63: {  	_ =	shalt  }
0x64: {  	_ =	shalt  }
0x65: {  	_ =	shalt  }
0x66: {  	_ =	shalt  }
0x67: {  	_ =	shalt  }
0x68: {  	_ =	shalt  }
0x69: {  	_ =	shalt  }
0x6a: {  	_ =	shalt  }
0x6b: {  	_ =	shalt  }
0x6c: {  	_ =	shalt  }
0x6d: {  	_ =	shalt  }
0x6e: {  	_ =	shalt  }
0x6f: {  	_ =	shalt  }
0x70: {  	_ =	shalt  }
0x71: {  	_ =	shalt  }
0x72: {  	_ =	shalt  }
0x73: {  	_ =	shalt  }
0x74: {  	_ =	shalt  }
0x75: {  	_ =	shalt  }
0x76: {  	_ =	shalt  }
0x77: {  	_ =	shalt  }
0x78: {  	_ =	shalt  }
0x79: {  	_ =	shalt  }
0x7a: {  	_ =	shalt  }
0x7b: {  	_ =	shalt  }
0x7c: {  	_ =	shalt  }
0x7d: {  	_ =	shalt  }
0x7e: {  	_ =	shalt  }
0x7f: {  	_ =	shalt  }
0x80: {  	_ =	shalt  }
0x81: {  	_ =	shalt  }
0x82: {  	_ =	shalt  }
0x83: {  	_ =	shalt  }
0x84: {  	_ =	shalt  }
0x85: {  	_ =	shalt  }
0x86: {  	_ =	shalt  }
0x87: {  	_ =	shalt  }
.Lfunc_end0:
.L_simem_size_0:
called_computation_lowered:
.L_overlay_start_0:
0x88: {  	s2 =	sld [smem:$0x3FD9]  }
0x89: {  	s3 =	sld [smem:$0x3FFE];
	_ =	sdelay $0x1  }
0x8a: {  	s1 =	srdreg.scid  }
0x8b: {  	s0 =	sand.u32 $0x1, s1  }
0x8c: {  	s17 =	sshll.u32 s0, $0xA;
	s2 =	sadd.s32 s3, s2  }
0x8d: {  	s2 =	sadd.s32 s2, s17  }
0x8e: {  	[smem:$0x3FC6] =	sst s2  }
0x8f: {  	_ = 	snop  }
0x90: {  	s2 =	sld [smem:$0x3FD0];
	(tm) =	ssettm $0x1  }
0x91: {  	s18 =	sld [smem:$0x3FFB];
	_ =	sdelay $0x3  }
0x92: {  	_ =	strace s18  }
0x93: {  	s3 =	sld [smem:$0x3FFC];
	_ =	sdelay $0x3  }
0x94: {  	_ =	strace s3  }
0x95: {  	s3 =	sld [smem:$0x3FFD];
	_ =	sdelay $0x3  }
0x96: {  	_ =	strace s3  }
0x97: {  	_ =	strace $0x8FFFFFFF  }
0x98: {  	s19 =	sld [smem:$0x3FDB];
	_ =	sdelay $0x1  }
0x99: {  	s4 =	simm.s32 $_scs_section_size  }
0x9a: {  	s5 =	simm.s32 $_size__tile_overlayer_lowered;
	s6 =	simm.s32 $_tile_overlayer_lowered  }
0x9b: {  	s22 =	simm.s32 $0x1BFF;
	s21 =	sshll.u32 s6, $0x1;
	s3 =	sadd.s32 s4, s19  }
0x9c: {  	s7 =	simm.s32 $0x0;
	s20 =	sshll.u32 s5, $0x1;
	s5 =	sadd.s32 s21, s3  }
0x9d: {  	[timem:s7], [sflag:s22] =	dma.local [hbm:s5], s20  }
0x9e: {  	_ =	swait.ge [sflag:s22], s20  }
0x9f: {  	s4 =	ssub.s32 $0x0, s20;
	[sflag:s22] =	ssyncset.done $0x0  }
0xa0: {  	[sflag:s22] =	ssyncadd.s32 s4;
	_ =	sdelay $0x1  }
0xa1: {  	s23 =	simm.s32 $0x1B8B  }
0xa2: {  	_ =	swait.ge [sflag:s23], $0x1  }
0xa3: {  	[sflag:s23] =	ssyncset.done $0x0  }
0xa4: {  	s25 =	simm.s32 $0x1B8E;
	s24 =	sld [smem:$0x3FFE];
	[sflag:s23] =	ssyncadd.s32 $0xFFFFFFFF  }
0xa5: {  	s26 =	simm.s32 $execute0_lowered;
	[smem:$0x3FD2] =	sst s25  }
0xa6: {  	s5 =	sshll.u32 s26, $0x1;
	_ =	strace $0x80000046;
	[dreg:$0x1] =	wrdreg $0xFFFFFFFF  }
0xa7: {  	s28 =	simm.s32 $_size_execute0_lowered;
	s3 =	sadd.s32 s3, s5;
	[dreg:$0x0] =	wrdreg $0x0  }
0xa8: {  	s5 =	sshll.u32 s28, $0x1;
	[dreg:$0x2] =	wrdreg s3  }
0xa9: {  	[dreg:$0x3] =	wrdreg s5  }
0xaa: {  	[dreg:$0x4] =	wrdreg $0xC0  }
0xab: {  	_ =	task [dreg:s7], $0x5FFFF  }
0xac: {  	[dreg:$0x1] =	wrdreg $0xFFFFFFFF  }
0xad: {  	[dreg:$0x0] =	wrdreg $0x60  }
0xae: {  	[dreg:$0x2] =	wrdreg s2  }
0xaf: {  	[dreg:$0x3] =	wrdreg s24  }
0xb0: {  	[dreg:$0x4] =	wrdreg $0x9  }
0xb1: {  	_ =	task.clear_ibuf [dreg:s7], $0x5FFFF;
	_ =	strace $0x90000046  }
0xb2: {  	s29 =	simm.s32 $0x9;
	_ =	strace $0x80000048  }
0xb3: {  	_ =	swait.ge [sflag:s29], $0x1  }
0xb4: {  	[sflag:s29] =	ssyncadd.s32 $0xFFFFFFFF  }
0xb5: {  	_ =	strace $0x90000048  }
0xb6: {  	_ =	sfence  }
0xb7: {  	s30 =	sld [smem:$0x0];
	_ =	sdelay $0x2  }
0xb8: {  	s31 =	sshll.u32 s1, $0xD;
	s1 =	sshrl.u32 s1, $0x2  }
0xb9: {  	s3 =	sand.u32 $0x4000, s31;
	s1 =	sadd.s32 s1, s30  }
0xba: {  	s0 =	sor.u32 s3, s0;
	s1 =	sshll.u32 s1, $0x11  }
0xbb: {  	s0 =	sor.u32 s1, s0  }
0xbc: {  	s0 =	sadd.s32 $0x8F2B, s0  }
0xbd: {  	[sflag:s0] =	ssyncadd.remote.s32 $0x1  }
0xbe: {  	_ =	sfence.sel $0xFFFF  }
0xbf: {  	[dreg:$0x0] =	wrdreg $0xFFFFFFFF;
	(pc) =	sbr.abs _section_cstart, $3  }
0xc0: {  	[dreg:$0x1] =	wrdreg $0xFFFFFFFF  }
0xc1: {  	_ =	task.clear_ibuf [dreg:s7], $0x2FFFF;
	_ =	strace $0x9FFFFFFF  }
0xc2: {  	(tm) =	ssettm $0x7FFFFFFF  }
0xc3: {  	_ =	shalt  }
tec
execute0_lowered:
.L_overlay_start_1:
0x0: {  	(tag) =	ssettag $0x1  }
0x1: {  	s3 =	rddreg [dreg:$0x0]  }
0x2: {  	s4 =	rddreg [dreg:$0x1]  }
0x3: {  	s0 =	rddreg [dreg:$0x2];
	s2 =	simm.s32 $0x0;
	s5 =	srdreg.scid  }
0x4: {  	s1 =	stileid.u32;
	s9 =	simm.s32 $0x2;
	s10 =	simm.s32 $0x400  }
0x5: {  	s11 =	simm.s32 $0x3;
	s12 =	simm.s32 $0x0;
	s5 =	sand.u32 $0x1, s5  }
0x6: {  	[smem:$0x7FF] =	sst s2;
	s6 =	sshll.u32 s1, $0x7;
	s7 =	sshll.u32 s5, $0x6  }
0x7: {  	s5 =	ssub.s32 $0x2, s5;
	_ =	strace $0x80000047;
	s6 =	sor.u32 s7, s6  }
0x8: {  	s31 =	sshrl.u32 s5, $0x1;
	s8 =	sadd.s32 s6, s4;
	s3 =	sadd.s32 s3, s6  }
0x9: {  	s7 =	ssub.s32 s5, s31;
	s4 =	sadd.s32 $0x800, s3;
	s5 =	sadd.s32 $0x600, s8  }
0xa: {  	v0 =	vimm.s32 $0x0;
	s6 =	smax.u32 s7, $0x1;
	s7 =	simm.s32 $0x200;
	s8 =	simm.s32 $0x1  }
.LBB2_1:
0xb: {  	[tilespmem:s2], [sflag:$0x1] =	stream.linear.gather [hbm4b:s3+s2], $0x200, $0x38;
	[tilespmem:$0x600] =	vst v63  }
0xc: {  	_ = 	snop  }
0xd: {  	[tilespmem:s7], [sflag:$0x2] =	stream.linear.gather [hbm4b:s4+s2], $0x200, $0x38;
	[tilespmem:$0x600] =	vst v63  }
0xe: {  	_ =	swait.ge [sflag:s8], $0x200  }
0xf: {  	[sflag:s8] =	ssyncset.done $0x0  }
0x10: {  	[sflag:s8] =	ssyncadd.s32 $0xFFFFFE00  }
0x11: {  	_ =	swait.ge [sflag:s9], $0x200  }
0x12: {  	[sflag:s9] =	ssyncset.done $0x0  }
0x13: {  	s13 =	simm.s32 $0x0;
	[sflag:s9] =	ssyncadd.s32 $0xFFFFFE00  }
0x14: {  	v1 =	vld [tilespmem:s13+$0x0]  }
0x15: {  	v2 =	vld [tilespmem:s13+$0x200];
	_ =	sdelay $0x3  }
0x16: {  	v3 =	vmul.u32 $0xBF58476D, v1;
	v4 =	vshrl.u32 v1, $0x10  }
0x17: {  	v1 =	vand.u32 $0xFFFF, v1;
	v5 =	vmul.u32 $0xBF58476D, v2;
	v6 =	vshrl.u32 v2, $0x10  }
0x18: {  	v2 =	vand.u32 $0xFFFF, v2;
	v7 =	vmul.u32 $0x1CE4, v4;
	v8 =	vmul.u32 $0xE5B9, v1  }
0x19: {  	v1 =	vmul.u32 $0x1CE4, v1;
	v4 =	vmul.u32 $0xE5B9, v4;
	v9 =	vmul.u32 $0x1CE4, v6  }
0x1a: {  	v10 =	vmul.u32 $0xE5B9, v2;
	v2 =	vmul.u32 $0x1CE4, v2;
	v6 =	vmul.u32 $0xE5B9, v6  }
0x1b: {  	v1 =	vadd.s32 v4, v1;
	v3 =	vadd.s32 v3, v7;
	v4 =	vadd.s32 v5, v9  }
0x1c: {  	v2 =	vadd.s32 v6, v2;
	v5 =	vshrl.u32 v1, $0x10;
	v1 =	vshll.u32 v1, $0x10  }
0x1d: {  	v6 =	vshrl.u32 v2, $0x10;
	v2 =	vshll.u32 v2, $0x10;
	v3 =	vadd.s32 v5, v3  }
0x1e: {  	v1 =	vadd.s32 v8, v1;
	v4 =	vadd.s32 v6, v4;
	v2 =	vadd.s32 v10, v2  }
0x1f: {  	v5 =	vshrl.u32 v1, $0x1;
	vm0 =	vlt.u32 v1, v8;
	vm1 =	vlt.u32 v2, v10  }
0x20: {  	v6 =	vshrl.u32 v2, $0x1;
	v7 =	vsel vm0, $0x1, v0;
	v5 =	vshrl.u32 v5, $0x1A  }
0x21: {  	v6 =	vshrl.u32 v6, $0x1A;
	v3 =	vadd.s32 v7, v3;
	v7 =	vsel vm1, $0x1, v0  }
0x22: {  	v8 =	vshrl.u32 v3, $0x1B;
	v4 =	vadd.s32 v7, v4;
	v7 =	vshll.u32 v3, $0x5  }
0x23: {  	v9 =	vshrl.u32 v4, $0x1B;
	v5 =	vor.u32 v5, v7;
	v7 =	vshll.u32 v4, $0x5  }
0x24: {  	v3 =	vxor.u32 v3, v8;
	v6 =	vor.u32 v6, v7;
	v4 =	vxor.u32 v4, v9  }
0x25: {  	v1 =	vxor.u32 v1, v5;
	v3 =	vmul.u32 $0x133111EB, v3;
	v4 =	vmul.u32 $0x133111EB, v4  }
0x26: {  	v5 =	vmul.u32 $0x94D049BB, v1;
	v2 =	vxor.u32 v2, v6;
	v6 =	vshrl.u32 v1, $0x10  }
0x27: {  	v1 =	vand.u32 $0xFFFF, v1;
	v7 =	vshrl.u32 v2, $0x10;
	v8 =	vand.u32 $0xFFFF, v2  }
0x28: {  	v2 =	vmul.u32 $0x94D049BB, v2;
	v9 =	vmul.u32 $0x1331, v8;
	v10 =	vmul.u32 $0x11EB, v7  }
0x29: {  	v11 =	vmul.u32 $0x1331, v6;
	v12 =	vmul.u32 $0x11EB, v1;
	v1 =	vmul.u32 $0x1331, v1  }
0x2a: {  	v6 =	vmul.u32 $0x11EB, v6;
	v8 =	vmul.u32 $0x11EB, v8;
	v9 =	vadd.s32 v10, v9  }
0x2b: {  	v7 =	vmul.u32 $0x1331, v7;
	v3 =	vadd.s32 v5, v3;
	v5 =	vshll.u32 v9, $0x10  }
0x2c: {  	v2 =	vadd.s32 v2, v4;
	v3 =	vadd.s32 v11, v3;
	v4 =	vadd.s32 v8, v5  }
0x2d: {  	v2 =	vadd.s32 v7, v2;
	v5 =	vshrl.u32 v9, $0x10;
	vm8 =	vlt.u32 v4, v8  }
0x2e: {  	v1 =	vadd.s32 v6, v1;
	v2 =	vadd.s32 v5, v2;
	v6 =	vsel vm8, $0x1, v0  }
0x2f: {  	v5 =	vshrl.u32 v1, $0x10;
	v2 =	vadd.s32 v6, v2;
	v6 =	vshrl.u32 v4, $0x1  }
0x30: {  	v1 =	vshll.u32 v1, $0x10;
	v7 =	vshll.u32 v2, $0x1;
	v6 =	vshrl.u32 v6, $0x1E  }
0x31: {  	v3 =	vadd.s32 v5, v3;
	v5 =	vor.u32 v6, v7;
	v6 =	vshrl.u32 v2, $0x1F  }
0x32: {  	v1 =	vadd.s32 v12, v1;
	v2 =	vxor.u32 v2, v6;
	v4 =	vxor.u32 v4, v5  }
0x33: {  	v5 =	vshrl.u32 v4, $0x10;
	v6 =	vand.u32 $0xFFFF, v4;
	v2 =	vmul.u32 $0x5BD1E995, v2  }
0x34: {  	v4 =	vmul.u32 $0xC6A4A793, v4;
	v7 =	vmul.u32 $0x5BD1, v6;
	v8 =	vmul.u32 $0xE995, v5  }
0x35: {  	vm9 =	vlt.u32 v1, v12;
	v9 =	vshrl.u32 v1, $0x1;
	v5 =	vmul.u32 $0x5BD1, v5  }
0x36: {  	v6 =	vmul.u32 $0xE995, v6;
	v2 =	vadd.s32 v4, v2;
	v8 =	vadd.s32 v8, v7  }
0x37: {  	s14 =	simm.s32 $0x10;
	v10 =	vsel vm9, $0x1, v0;
	v2 =	vadd.s32 v5, v2;
	v11 =	vshll.u32 v8, $0x10  }
0x38: {  	v4 =	vld [tilespmem:s14+$0x0];
	vm10 =	vlt.u32 v8, v7;
	v5 =	vadd.s32 v6, v11;
	v11 =	vshrl.u32 v8, $0x10  }
0x39: {  	vm11 =	vlt.u32 v5, v6;
	v6 =	vsel vm10, $0x10000, v0;
	v2 =	vadd.s32 v11, v2  }
0x3a: {  	v3 =	vadd.s32 v10, v3;
	v7 =	vld [tilespmem:s14+$0x200];
	v8 =	vsel vm11, $0x1, v0;
	v2 =	vadd.s32 v6, v2  }
0x3b: {  	v9 =	vshrl.u32 v9, $0x1E;
	v6 =	vshll.u32 v3, $0x1;
	v2 =	vadd.s32 v8, v2  }
0x3c: {  	v11 =	vshrl.u32 v3, $0x1F;
	v6 =	vor.u32 v9, v6;
	v9 =	vshrl.u32 v2, $0xF  }
0x3d: {  	v10 =	vshrl.u32 v4, $0x10;
	v3 =	vxor.u32 v3, v11;
	v6 =	vxor.u32 v9, v6  }
0x3e: {  	v8 =	vmul.u32 $0xBF58476D, v4;
	v4 =	vand.u32 $0xFFFF, v4;
	v1 =	vxor.u32 v1, v6  }
0x3f: {  	v2 =	vxor.u32 v2, v3;
	v12 =	vshrl.u32 v7, $0x10;
	v1 =	vxor.u32 v5, v1  }
0x40: {  	v2 =	vmul.u32 $0x5BD1E995, v2;
	v3 =	vshrl.u32 v1, $0x10;
	v5 =	vand.u32 $0xFFFF, v1  }
0x41: {  	v1 =	vmul.u32 $0xC6A4A793, v1;
	v6 =	vmul.u32 $0x5BD1, v5;
	v11 =	vmul.u32 $0xE995, v3  }
0x42: {  	v13 =	vand.u32 $0xFFFF, v7;
	v9 =	vmul.u32 $0xBF58476D, v7;
	v3 =	vmul.u32 $0x5BD1, v3  }
0x43: {  	v5 =	vmul.u32 $0xE995, v5;
	v1 =	vadd.s32 v2, v1;
	v7 =	vadd.s32 v11, v6  }
0x44: {  	v2 =	vmul.u32 $0x1CE4, v10;
	v1 =	vadd.s32 v3, v1;
	v11 =	vshll.u32 v7, $0x10  }
0x45: {  	vm12 =	vlt.u32 v7, v6;
	v3 =	vadd.s32 v5, v11;
	v11 =	vshrl.u32 v7, $0x10  }
0x46: {  	vm13 =	vlt.u32 v3, v5;
	v5 =	vsel vm12, $0x10000, v0;
	v1 =	vadd.s32 v11, v1  }
0x47: {  	v6 =	vmul.u32 $0xE5B9, v4;
	v7 =	vsel vm13, $0x1, v0;
	v1 =	vadd.s32 v5, v1  }
0x48: {  	v4 =	vmul.u32 $0x1CE4, v4;
	v8 =	vadd.s32 v8, v2;
	v1 =	vadd.s32 v7, v1  }
0x49: {  	v5 =	vmul.u32 $0xE5B9, v10;
	v10 =	vmul.u32 $0x1CE4, v12;
	v11 =	vshrl.u32 v1, $0xF  }
0x4a: {  	v12 =	vmul.u32 $0xE5B9, v12;
	v7 =	vmul.u32 $0xE5B9, v13;
	v3 =	vxor.u32 v3, v11  }
0x4b: {  	v15 =	vmul.u32 $0x5BD1E995, v1;
	v11 =	vshrl.u32 v3, $0x10;
	v14 =	vand.u32 $0xFFFF, v3  }
0x4c: {  	v3 =	vmul.u32 $0xC6A4A793, v3;
	v16 =	vmul.u32 $0x5BD1, v14;
	v17 =	vmul.u32 $0xE995, v11  }
0x4d: {  	v13 =	vmul.u32 $0x1CE4, v13;
	v4 =	vadd.s32 v5, v4;
	v2 =	vmul.u32 $0x5BD1, v11  }
0x4e: {  	v1 =	vmul.u32 $0xE995, v14;
	v3 =	vadd.s32 v15, v3;
	v5 =	vadd.s32 v17, v16  }
0x4f: {  	v9 =	vadd.s32 v9, v10;
	v2 =	vadd.s32 v2, v3;
	v10 =	vshll.u32 v5, $0x10  }
0x50: {  	vm14 =	vlt.u32 v5, v16;
	v3 =	vadd.s32 v1, v10;
	v10 =	vshrl.u32 v5, $0x10  }
0x51: {  	v5 =	vsel vm14, $0x10000, v0;
	vm15 =	vlt.u32 v3, v1;
	v2 =	vadd.s32 v10, v2  }
0x52: {  	v10 =	vadd.s32 v12, v13;
	v12 =	vsel vm15, $0x1, v0;
	v2 =	vadd.s32 v5, v2  }
0x53: {  	v11 =	vshrl.u32 v4, $0x10;
	v3 =	vshrl.u32 v3, $0x10;
	v2 =	vadd.s32 v12, v2  }
0x54: {  	v3 =	vmul.u32 $0xBDC, v3;
	v5 =	vand.u32 $0xFFFF, v1;
	v13 =	vand.u32 $0xFFFF, v2  }
0x55: {  	s15 =	simm.s32 $0x80;
	v12 =	vshll.u32 v4, $0x10;
	v4 =	vshrl.u32 v2, $0x10;
	v2 =	vmul.u32 $0x375B, v13  }
.LBB2_2:
0x56: {  	p0 =	sne.s32 s15, $0x7C0;
	v13 =	vshrl.u32 v10, $0x10;
	v3 =	vadd.s32 v5, v3;
	v4 =	vmul.u32 $0x1D6B, v4  }
0x57: {  	v5 =	vadd.s32 v11, v8;
	v8 =	vshll.u32 v10, $0x10;
	v2 =	vadd.s32 v2, v3  }
0x58: {  	v3 =	vadd.s32 v6, v12;
	v9 =	vadd.s32 v13, v9;
	v2 =	vadd.s32 v4, v2  }
0x59: {  	v8 =	vadd.s32 v7, v8;
	v4 =	vshrl.u32 v3, $0x1;
	v10 =	vcvt.s32.f32 v2  }
0x5a: {  	vm0 =	vlt.u32 v3, v6;
	vm1 =	vlt.u32 v8, v7;
	v6 =	vshrl.u32 v8, $0x1  }
0x5b: {  	v7 =	vsel vm0, $0x1, v0;
	v4 =	vshrl.u32 v4, $0x1A;
	v10 =	vmul.f32 $6.399999980e-05, v10  }
0x5c: {  	v6 =	vshrl.u32 v6, $0x1A;
	v5 =	vadd.s32 v7, v5;
	v7 =	vsel vm1, $0x1, v0  }
0x5d: {  	v11 =	vshrl.u32 v5, $0x1B;
	v7 =	vadd.s32 v7, v9;
	v9 =	vtrunc.f32 v10  }
0x5e: {  	v12 =	vshrl.u32 v7, $0x1B;
	v10 =	vshll.u32 v5, $0x5;
	v9 =	vcvt.f32.s32 v9  }
0x5f: {  	v5 =	vxor.u32 v5, v11;
	v4 =	vor.u32 v4, v10;
	v10 =	vshll.u32 v7, $0x5  }
0x60: {  	v7 =	vxor.u32 v7, v12;
	v6 =	vor.u32 v6, v10;
	v9 =	vmul.u32 $0xFFFFC2F7, v9  }
0x61: {  	v3 =	vxor.u32 v3, v4;
	v4 =	vmul.u32 $0x133111EB, v5;
	v5 =	vmul.u32 $0x133111EB, v7  }
0x62: {  	v7 =	vmul.u32 $0x94D049BB, v3;
	v6 =	vxor.u32 v8, v6;
	v2 =	vadd.s32 v2, v9  }
0x63: {  	v8 =	vshrl.u32 v3, $0x10;
	vm0 =	vlt.s32 v2, $0x0;
	v9 =	vadd.s32 $0x3D09, v2  }
0x64: {  	v3 =	vand.u32 $0xFFFF, v3;
	v10 =	vmul.u32 $0x94D049BB, v6;
	v2 =	vsel vm0, v9, v2  }
0x65: {  	v9 =	vshrl.u32 v6, $0x10;
	vm0 =	vgt.s32 v2, $0x3D08;
	v11 =	vadd.s32 $0xFFFFC2F7, v2  }
0x66: {  	v12 =	vmul.u32 $0x1331, v8;
	v6 =	vand.u32 $0xFFFF, v6;
	v2 =	vsel vm0, v11, v2  }
0x67: {  	v11 =	vmul.u32 $0x11EB, v3;
	v3 =	vmul.u32 $0x1331, v3;
	v1 =	vsub.s32 v1, v2  }
0x68: {  	v13 =	vmul.u32 $0x1331, v6;
	v14 =	vmul.u32 $0x11EB, v9;
	v1 =	vmul.u32 $0x39, v1  }
0x69: {  	v8 =	vmul.u32 $0x11EB, v8;
	v6 =	vmul.u32 $0x11EB, v6;
	v9 =	vmul.u32 $0x1331, v9  }
0x6a: {  	v4 =	vadd.s32 v7, v4;
	v7 =	vadd.s32 v14, v13;
	v1 =	vand.u32 $0x3F, v1  }
0x6b: {  	v5 =	vadd.s32 v10, v5;
	v13 =	vshll.u32 v7, $0x10;
	v1 =	vmul.u32 $0x3D09, v1  }
0x6c: {  	v4 =	vadd.s32 v12, v4;
	v5 =	vadd.s32 v9, v5;
	v10 =	vadd.s32 v6, v13  }
0x6d: {  	vm0 =	vlt.u32 v10, v6;
	v6 =	vshrl.u32 v7, $0x10;
	v1 =	vadd.s32 v2, v1  }
0x6e: {  	v5 =	vadd.s32 v6, v5;
	v2 =	vadd.s32 v8, v3;
	v3 =	vsel vm0, $0x1, v0;
	[tilespmem:s13+$0x400] =	vst v1;
	s13 =	smov.u32 s14  }
0x6f: {  	v1 =	vshrl.u32 v2, $0x10;
	v3 =	vadd.s32 v3, v5;
	v5 =	vshrl.u32 v10, $0x1  }
0x70: {  	v2 =	vshll.u32 v2, $0x10;
	v6 =	vshll.u32 v3, $0x1;
	v5 =	vshrl.u32 v5, $0x1E  }
0x71: {  	v1 =	vadd.s32 v1, v4;
	v4 =	vor.u32 v5, v6;
	v5 =	vshrl.u32 v3, $0x1F  }
0x72: {  	v2 =	vadd.s32 v11, v2;
	v3 =	vxor.u32 v3, v5;
	v4 =	vxor.u32 v10, v4  }
0x73: {  	v5 =	vshrl.u32 v4, $0x10;
	v6 =	vand.u32 $0xFFFF, v4;
	v3 =	vmul.u32 $0x5BD1E995, v3  }
0x74: {  	v4 =	vmul.u32 $0xC6A4A793, v4;
	v7 =	vmul.u32 $0x5BD1, v6;
	v8 =	vmul.u32 $0xE995, v5  }
0x75: {  	vm0 =	vlt.u32 v2, v11;
	v9 =	vshrl.u32 v2, $0x1;
	v5 =	vmul.u32 $0x5BD1, v5  }
0x76: {  	s14 =	sshra.s32 s15, $0x2;
	v6 =	vmul.u32 $0xE995, v6;
	v3 =	vadd.s32 v4, v3;
	v8 =	vadd.s32 v8, v7  }
0x77: {  	v10 =	vsel vm0, $0x1, v0;
	v3 =	vadd.s32 v5, v3;
	v11 =	vshll.u32 v8, $0x10;
	v4 =	vld [tilespmem:s14+$0x0]  }
0x78: {  	vm0 =	vlt.u32 v8, v7;
	v5 =	vadd.s32 v6, v11;
	v11 =	vshrl.u32 v8, $0x10  }
0x79: {  	vm1 =	vlt.u32 v5, v6;
	v6 =	vsel vm0, $0x10000, v0;
	v3 =	vadd.s32 v11, v3  }
0x7a: {  	v1 =	vadd.s32 v10, v1;
	v8 =	vsel vm1, $0x1, v0;
	v3 =	vadd.s32 v6, v3;
	v7 =	vld [tilespmem:s14+$0x200]  }
0x7b: {  	v9 =	vshrl.u32 v9, $0x1E;
	v6 =	vshll.u32 v1, $0x1;
	v3 =	vadd.s32 v8, v3  }
0x7c: {  	v6 =	vor.u32 v9, v6;
	v9 =	vshrl.u32 v3, $0xF;
	v8 =	vmul.u32 $0xBF58476D, v4  }
0x7d: {  	v11 =	vshrl.u32 v1, $0x1F;
	v10 =	vshrl.u32 v4, $0x10;
	v6 =	vxor.u32 v9, v6  }
0x7e: {  	v1 =	vxor.u32 v1, v11;
	v4 =	vand.u32 $0xFFFF, v4;
	v2 =	vxor.u32 v2, v6  }
0x7f: {  	v1 =	vxor.u32 v3, v1;
	v2 =	vxor.u32 v5, v2;
	v9 =	vmul.u32 $0xBF58476D, v7  }
0x80: {  	v1 =	vmul.u32 $0x5BD1E995, v1;
	v3 =	vshrl.u32 v2, $0x10;
	v5 =	vand.u32 $0xFFFF, v2  }
0x81: {  	v2 =	vmul.u32 $0xC6A4A793, v2;
	v6 =	vmul.u32 $0x5BD1, v5;
	v11 =	vmul.u32 $0xE995, v3  }
0x82: {  	v12 =	vshrl.u32 v7, $0x10;
	v13 =	vand.u32 $0xFFFF, v7;
	v3 =	vmul.u32 $0x5BD1, v3  }
0x83: {  	v5 =	vmul.u32 $0xE995, v5;
	v1 =	vadd.s32 v1, v2;
	v7 =	vadd.s32 v11, v6  }
0x84: {  	v2 =	vmul.u32 $0x1CE4, v10;
	v1 =	vadd.s32 v3, v1;
	v11 =	vshll.u32 v7, $0x10  }
0x85: {  	vm0 =	vlt.u32 v7, v6;
	v3 =	vadd.s32 v5, v11;
	v11 =	vshrl.u32 v7, $0x10  }
0x86: {  	vm1 =	vlt.u32 v3, v5;
	v5 =	vsel vm0, $0x10000, v0;
	v1 =	vadd.s32 v11, v1  }
0x87: {  	v6 =	vmul.u32 $0xE5B9, v4;
	v7 =	vsel vm1, $0x1, v0;
	v1 =	vadd.s32 v5, v1  }
0x88: {  	v4 =	vmul.u32 $0x1CE4, v4;
	v5 =	vmul.u32 $0xE5B9, v10;
	v1 =	vadd.s32 v7, v1  }
0x89: {  	v10 =	vmul.u32 $0x1CE4, v12;
	v7 =	vmul.u32 $0xE5B9, v13;
	v11 =	vshrl.u32 v1, $0xF  }
0x8a: {  	v12 =	vmul.u32 $0xE5B9, v12;
	v13 =	vmul.u32 $0x1CE4, v13;
	v3 =	vxor.u32 v3, v11  }
0x8b: {  	v15 =	vmul.u32 $0x5BD1E995, v1;
	v11 =	vshrl.u32 v3, $0x10;
	v14 =	vand.u32 $0xFFFF, v3  }
0x8c: {  	v3 =	vmul.u32 $0xC6A4A793, v3;
	v16 =	vmul.u32 $0x5BD1, v14;
	v17 =	vmul.u32 $0xE995, v11  }
0x8d: {  	v8 =	vadd.s32 v8, v2;
	v4 =	vadd.s32 v5, v4;
	v2 =	vmul.u32 $0x5BD1, v11  }
0x8e: {  	v1 =	vmul.u32 $0xE995, v14;
	v3 =	vadd.s32 v15, v3;
	v5 =	vadd.s32 v17, v16  }
0x8f: {  	v9 =	vadd.s32 v9, v10;
	v2 =	vadd.s32 v2, v3;
	v10 =	vshll.u32 v5, $0x10  }
0x90: {  	vm0 =	vlt.u32 v5, v16;
	v3 =	vadd.s32 v1, v10;
	v10 =	vshrl.u32 v5, $0x10  }
.Ltmp0:
0x91: {  	v5 =	vsel vm0, $0x10000, v0;
	vm1 =	vlt.u32 v3, v1;
	v2 =	vadd.s32 v10, v2;
	(pc) =	sbr.rel @p0 .LBB2_2-.Ltmp0, $4  }
0x92: {  	v10 =	vadd.s32 v12, v13;
	v12 =	vsel vm1, $0x1, v0;
	v2 =	vadd.s32 v5, v2  }
0x93: {  	v11 =	vshrl.u32 v4, $0x10;
	v3 =	vshrl.u32 v3, $0x10;
	v2 =	vadd.s32 v12, v2  }
0x94: {  	v3 =	vmul.u32 $0xBDC, v3;
	v12 =	vshll.u32 v4, $0x10;
	v13 =	vand.u32 $0xFFFF, v2  }
0x95: {  	s15 =	sadd.s32 $0x40, s15;
	v5 =	vand.u32 $0xFFFF, v1;
	v4 =	vshrl.u32 v2, $0x10;
	v2 =	vmul.u32 $0x375B, v13  }
0x96: {  	v13 =	vshrl.u32 v10, $0x10;
	v8 =	vadd.s32 v11, v8;
	v58 =	vshll.u32 v10, $0x10  }
0x97: {  	v59 =	vadd.s32 v6, v12;
	v9 =	vadd.s32 v13, v9;
	v10 =	vadd.s32 v7, v58  }
0x98: {  	v12 =	vshrl.u32 v59, $0x1;
	vm0 =	vlt.u32 v59, v6;
	vm1 =	vlt.u32 v10, v7  }
0x99: {  	v60 =	vshrl.u32 v10, $0x1;
	v61 =	vsel vm0, $0x1, v0;
	v12 =	vshrl.u32 v12, $0x1A  }
0x9a: {  	v62 =	vsel vm1, $0x1, v0;
	v7 =	vadd.s32 v61, v8;
	v6 =	vshrl.u32 v60, $0x1A  }
0x9b: {  	v63 =	vadd.s32 v62, v9;
	v16 =	vshrl.u32 v7, $0x1B;
	v14 =	vshll.u32 v7, $0x5  }
0x9c: {  	v13 =	vshll.u32 v63, $0x5;
	v17 =	vshrl.u32 v63, $0x1B;
	v12 =	vor.u32 v12, v14  }
0x9d: {  	v7 =	vxor.u32 v7, v16;
	v6 =	vor.u32 v6, v13;
	v8 =	vxor.u32 v63, v17  }
0x9e: {  	v11 =	vxor.u32 v59, v12;
	v7 =	vmul.u32 $0x133111EB, v7;
	v6 =	vxor.u32 v10, v6  }
0x9f: {  	v8 =	vmul.u32 $0x133111EB, v8;
	v21 =	vmul.u32 $0x94D049BB, v11;
	v22 =	vshrl.u32 v11, $0x10  }
0xa0: {  	v23 =	vand.u32 $0xFFFF, v11;
	v18 =	vshrl.u32 v6, $0x10;
	v10 =	vand.u32 $0xFFFF, v6  }
0xa1: {  	v6 =	vmul.u32 $0x94D049BB, v6;
	v19 =	vmul.u32 $0x1331, v10;
	v20 =	vmul.u32 $0x11EB, v18  }
0xa2: {  	v25 =	vmul.u32 $0x1331, v22;
	v26 =	vmul.u32 $0x11EB, v23;
	v27 =	vmul.u32 $0x11EB, v22  }
0xa3: {  	v9 =	vmul.u32 $0x1331, v18;
	v10 =	vmul.u32 $0x11EB, v10;
	v12 =	vadd.s32 v20, v19  }
0xa4: {  	v7 =	vadd.s32 v21, v7;
	v6 =	vadd.s32 v6, v8;
	v24 =	vshll.u32 v12, $0x10  }
0xa5: {  	v8 =	vmul.u32 $0x1331, v23;
	v7 =	vadd.s32 v25, v7;
	v11 =	vadd.s32 v10, v24  }
0xa6: {  	v6 =	vadd.s32 v9, v6;
	v12 =	vshrl.u32 v12, $0x10;
	vm5 =	vlt.u32 v11, v10  }
0xa7: {  	v8 =	vadd.s32 v27, v8;
	v6 =	vadd.s32 v12, v6;
	v28 =	vsel vm5, $0x1, v0  }
0xa8: {  	v31 =	vshrl.u32 v8, $0x10;
	v29 =	vshrl.u32 v11, $0x1;
	v6 =	vadd.s32 v28, v6  }
0xa9: {  	v8 =	vshll.u32 v8, $0x10;
	v13 =	vshrl.u32 v29, $0x1E;
	v30 =	vshll.u32 v6, $0x1  }
0xaa: {  	v7 =	vadd.s32 v31, v7;
	v32 =	vshrl.u32 v6, $0x1F;
	v10 =	vor.u32 v13, v30  }
0xab: {  	v8 =	vadd.s32 v26, v8;
	v6 =	vxor.u32 v6, v32;
	v10 =	vxor.u32 v11, v10  }
0xac: {  	v6 =	vmul.u32 $0x5BD1E995, v6;
	v33 =	vshrl.u32 v10, $0x10;
	v11 =	vand.u32 $0xFFFF, v10  }
0xad: {  	v10 =	vmul.u32 $0xC6A4A793, v10;
	v34 =	vmul.u32 $0x5BD1, v11;
	v35 =	vmul.u32 $0xE995, v33  }
0xae: {  	vm6 =	vlt.u32 v8, v26;
	v36 =	vshrl.u32 v8, $0x1;
	v9 =	vmul.u32 $0x5BD1, v33  }
0xaf: {  	v11 =	vmul.u32 $0xE995, v11;
	v6 =	vadd.s32 v10, v6;
	v37 =	vadd.s32 v35, v34  }
0xb0: {  	v38 =	vsel vm6, $0x1, v0;
	v6 =	vadd.s32 v9, v6;
	v39 =	vshll.u32 v37, $0x10  }
0xb1: {  	vm7 =	vlt.u32 v37, v34;
	v12 =	vshrl.u32 v37, $0x10;
	v9 =	vadd.s32 v11, v39  }
0xb2: {  	v40 =	vsel vm7, $0x10000, v0;
	v6 =	vadd.s32 v12, v6;
	vm8 =	vlt.u32 v9, v11  }
0xb3: {  	v7 =	vadd.s32 v38, v7;
	v6 =	vadd.s32 v40, v6;
	v41 =	vsel vm8, $0x1, v0  }
0xb4: {  	v42 =	vshll.u32 v7, $0x1;
	v10 =	vshrl.u32 v36, $0x1E;
	v6 =	vadd.s32 v41, v6  }
0xb5: {  	v10 =	vor.u32 v10, v42;
	v43 =	vshrl.u32 v6, $0xF  }
0xb6: {  	v44 =	vshrl.u32 v7, $0x1F;
	v10 =	vxor.u32 v43, v10  }
0xb7: {  	v7 =	vxor.u32 v7, v44;
	v8 =	vxor.u32 v8, v10  }
0xb8: {  	v6 =	vxor.u32 v6, v7;
	v45 =	vxor.u32 v9, v8  }
0xb9: {  	v6 =	vmul.u32 $0x5BD1E995, v6;
	v8 =	vshrl.u32 v45, $0x10;
	v9 =	vand.u32 $0xFFFF, v45  }
0xba: {  	v7 =	vmul.u32 $0xC6A4A793, v45;
	v46 =	vmul.u32 $0x5BD1, v9;
	v47 =	vmul.u32 $0xE995, v8  }
0xbb: {  	v8 =	vmul.u32 $0x5BD1, v8  }
0xbc: {  	v9 =	vmul.u32 $0xE995, v9;
	v6 =	vadd.s32 v6, v7;
	v11 =	vadd.s32 v47, v46  }
0xbd: {  	v6 =	vadd.s32 v8, v6;
	v48 =	vshll.u32 v11, $0x10  }
0xbe: {  	v49 =	vshrl.u32 v11, $0x10;
	vm9 =	vlt.u32 v11, v46;
	v7 =	vadd.s32 v9, v48  }
0xbf: {  	v50 =	vsel vm9, $0x10000, v0;
	v6 =	vadd.s32 v49, v6;
	vm10 =	vlt.u32 v7, v9  }
0xc0: {  	v6 =	vadd.s32 v50, v6;
	v51 =	vsel vm10, $0x1, v0  }
0xc1: {  	v6 =	vadd.s32 v51, v6  }
0xc2: {  	v8 =	vshrl.u32 v6, $0xF  }
0xc3: {  	v7 =	vxor.u32 v7, v8  }
0xc4: {  	v6 =	vmul.u32 $0x5BD1E995, v6;
	v8 =	vshrl.u32 v7, $0x10;
	v52 =	vand.u32 $0xFFFF, v7  }
0xc5: {  	v7 =	vmul.u32 $0xC6A4A793, v7;
	v53 =	vmul.u32 $0x5BD1, v52;
	v54 =	vmul.u32 $0xE995, v8  }
0xc6: {  	v8 =	vmul.u32 $0x5BD1, v8  }
0xc7: {  	v9 =	vmul.u32 $0xE995, v52;
	v6 =	vadd.s32 v6, v7;
	v11 =	vadd.s32 v54, v53  }
0xc8: {  	v6 =	vadd.s32 v8, v6;
	v55 =	vshll.u32 v11, $0x10  }
0xc9: {  	v56 =	vshrl.u32 v11, $0x10;
	vm11 =	vlt.u32 v11, v53;
	v7 =	vadd.s32 v9, v55  }
0xca: {  	v10 =	vsel vm11, $0x10000, v0;
	v6 =	vadd.s32 v56, v6;
	vm12 =	vlt.u32 v7, v9  }
0xcb: {  	v6 =	vadd.s32 v10, v6;
	v57 =	vsel vm12, $0x1, v0  }
0xcc: {  	v3 =	vadd.s32 v5, v3;
	v59 =	vshrl.u32 v7, $0x10;
	v58 =	vadd.s32 v57, v6  }
0xcd: {  	v4 =	vmul.u32 $0x1D6B, v4;
	v6 =	vmul.u32 $0xBDC, v59;
	v60 =	vand.u32 $0xFFFF, v58  }
0xce: {  	v61 =	vand.u32 $0xFFFF, v9;
	v5 =	vshrl.u32 v58, $0x10;
	v7 =	vmul.u32 $0x375B, v60  }
0xcf: {  	v2 =	vadd.s32 v2, v3;
	v3 =	vadd.s32 v61, v6;
	v5 =	vmul.u32 $0x1D6B, v5  }
0xd0: {  	v2 =	vadd.s32 v4, v2;
	v3 =	vadd.s32 v7, v3  }
0xd1: {  	v4 =	vcvt.s32.f32 v2;
	v3 =	vadd.s32 v5, v3  }
0xd2: {  	v5 =	vcvt.s32.f32 v3  }
0xd3: {  	v4 =	vmul.f32 $6.399999980e-05, v4  }
0xd4: {  	v5 =	vmul.f32 $6.399999980e-05, v5  }
0xd5: {  	v4 =	vtrunc.f32 v4  }
0xd6: {  	v4 =	vcvt.f32.s32 v4;
	v5 =	vtrunc.f32 v5  }
0xd7: {  	v5 =	vcvt.f32.s32 v5  }
0xd8: {  	v4 =	vmul.u32 $0xFFFFC2F7, v4  }
0xd9: {  	v5 =	vmul.u32 $0xFFFFC2F7, v5  }
0xda: {  	v2 =	vadd.s32 v2, v4  }
0xdb: {  	vm13 =	vlt.s32 v2, $0x0;
	v4 =	vadd.s32 $0x3D09, v2;
	v3 =	vadd.s32 v3, v5  }
0xdc: {  	v2 =	vsel vm13, v4, v2;
	vm14 =	vlt.s32 v3, $0x0;
	v62 =	vadd.s32 $0x3D09, v3  }
0xdd: {  	vm15 =	vgt.s32 v2, $0x3D08;
	v63 =	vadd.s32 $0xFFFFC2F7, v2;
	v3 =	vsel vm14, v62, v3  }
0xde: {  	v2 =	vsel vm15, v63, v2;
	vm0 =	vgt.s32 v3, $0x3D08;
	v4 =	vadd.s32 $0xFFFFC2F7, v3  }
0xdf: {  	v1 =	vsub.s32 v1, v2;
	v3 =	vsel vm0, v4, v3  }
0xe0: {  	v1 =	vmul.u32 $0x39, v1;
	v4 =	vsub.s32 v9, v3  }
0xe1: {  	v4 =	vmul.u32 $0x39, v4  }
0xe2: {  	v1 =	vand.u32 $0x3F, v1  }
0xe3: {  	v1 =	vmul.u32 $0x3D09, v1;
	v4 =	vand.u32 $0x3F, v4  }
0xe4: {  	v4 =	vmul.u32 $0x3D09, v4  }
0xe5: {  	s12 =	sadd.s32 $0x1, s12;
	v1 =	vadd.s32 v2, v1  }
0xe6: {  	p0 =	sne.s32 s12, s6;
	[tilespmem:s13+$0x400] =	vst v1;
	v1 =	vadd.s32 v3, v4  }
.Ltmp1:
0xe7: {  	[tilespmem:s14+$0x400] =	vst v1;
	(pc) =	sbr.rel @p0 .LBB2_1-.Ltmp1, $4  }
0xe8: {  	[hbm4b:s5+s2] =	stream.linear.scatter [tilespmem:s10], [sflag:$0x3], $0x200, $0x38;
	[tilespmem:$0x600] =	vst v63  }
0xe9: {  	_ =	swait.ge [sflag:s11], $0x200  }
0xea: {  	[sflag:s11] =	ssyncset.done $0x0  }
0xeb: {  	[sflag:s11] =	ssyncadd.s32 $0xFFFFFE00  }
0xec: {  	_ =	sfence.sel $0x180000  }
0xed: {  	[bflag:$0x0] =	sbarrier.arrive $0xFFFF  }
0xee: {  	p0 =	sne.s32 s1, $0x0;
	_ =	strace $0x90000047  }
0xef: {  	s0 =	sadd.s32 @!p0 $0x100000, s0;
	[bflag:$0x2] =	sbarrier.arrive $0xFFFF  }
0xf0: {  	[sflag:s0] =	ssyncadd.tile.s32 @!p0 $0x1;
	_ =	shalt  }
.Lfunc_end2:
_tile_overlayer_lowered:
.L_overlay_start_2:
0xf1: {  	(tag) =	ssettag $0x2  }
0xf2: {  	s0 =	rddreg [dreg:$0x0];
	s2 =	stileid.u32  }
0xf3: {  	s1 =	rddreg [dreg:$0x1];
	p0 =	sne.s32 s2, $0x0  }
0xf4: {  	s3 =	rddreg [dreg:$0x2];
	[bflag:$0x3] =	sbarrier.arrive $0xFFFF;
	s2 =	simm.s32 @!p0 $0x1C03  }
0xf5: {  	[timem:s3], [sflag:s2] =	dma.local @!p0 [hbm:s0], s1  }
0xf6: {  	s0 =	simm.s32 @!p0 $0x3  }
0xf7: {  	_ =	swait.ge @!p0 [sflag:s0], s1  }
0xf8: {  	s1 =	ssub.s32 @!p0 $0x0, s1;
	[sflag:s0] =	ssyncset.done @!p0 $0x0  }
0xf9: {  	[sflag:s0] =	ssyncadd.s32 @!p0 s1  }
0xfa: {  	[bflag:$0x3] =	sbarrier.arrive $0xFFFF  }
0xfb: {  	_ =	shalt  }

</sc_bundles>
